<compile_context>
chip_gen: v7x
topology: tpu7x:2x2x1
jax: 0.10.2.dev20260603
libtpu: 0.0.44.dev20260713+nightly
codegen_flags: <defaults>
</compile_context>

<pallas_src>
import functools

import jax
import jax.numpy as jnp
from jax import lax
from jax.experimental import pallas as pl
from jax.experimental.pallas import tpu as pltpu
from jax.experimental.pallas import tpu_sc as plsc

R, C = 100, 16384
NC, NS = 2, 16
NW = NC * NS
COLS_W = C // NW
NBUF = 2
COLS_C = 128
NCHUNK = COLS_W // COLS_C

_mesh = plsc.VectorSubcoreMesh(
    core_axis_name="c", subcore_axis_name="s", num_cores=NC, num_subcores=NS
)


@functools.partial(
    pl.kernel,
    out_type=jax.ShapeDtypeStruct((R, C), jnp.float32),
    mesh=_mesh,
    compiler_params=pltpu.CompilerParams(
        use_tc_tiling_on_sc=True,
        disable_bounds_checks=True,
        disable_semaphore_checks=True,
    ),
    scratch_types=[
        pltpu.VMEM((16,), jnp.float32),
        pltpu.VMEM((R, COLS_C), jnp.int32), pltpu.VMEM((R, COLS_C), jnp.int32),
        pltpu.VMEM((R, COLS_C), jnp.int32), pltpu.VMEM((R, COLS_C), jnp.int32),
        pltpu.VMEM((R, COLS_C), jnp.float32), pltpu.VMEM((R, COLS_C), jnp.float32),
        pltpu.SemaphoreType.DMA, pltpu.SemaphoreType.DMA,
        pltpu.SemaphoreType.DMA, pltpu.SemaphoreType.DMA,
    ],
)
def _sc_lookup(in_hbm, tg_hbm, tab_hbm, out_hbm,
               tab_v, in0, in1, tg0, tg1, out0, out1, si0, si1, so0, so1):
    wid = lax.axis_index("s") * NC + lax.axis_index("c")
    base = wid * COLS_W

    bufs = ((in0, tg0, out0, si0, so0), (in1, tg1, out1, si1, so1))

    for b in range(NBUF):
        off = base + b * COLS_C
        in_v, tg_v, _, sem_i, _ = bufs[b]
        pltpu.async_copy(in_hbm.at[:, pl.ds(off, COLS_C)], in_v, sem_i)
        pltpu.async_copy(tg_hbm.at[:, pl.ds(off, COLS_C)], tg_v, sem_i)

    pltpu.sync_copy(tab_hbm, tab_v)
    tab = tab_v[...]

    def round_body(g, _):
        for b in range(NBUF):
            in_v, tg_v, out_v, sem_i, sem_o = bufs[b]
            ci = g * NBUF + b
            off = base + ci * COLS_C
            pltpu.make_async_copy(
                in_hbm.at[:, pl.ds(off, COLS_C)], in_v, sem_i).wait()
            pltpu.make_async_copy(
                tg_hbm.at[:, pl.ds(off, COLS_C)], tg_v, sem_i).wait()

            @pl.when(ci >= NBUF)
            def _():
                prev = off - NBUF * COLS_C
                pltpu.make_async_copy(
                    out_v, out_hbm.at[:, pl.ds(prev, COLS_C)], sem_o).wait()

            @plsc.parallel_loop(0, R, 1, unroll=2)
            def _row(r):
                for c in range(0, COLS_C, 16):
                    s = (r, pl.ds(c, 16))
                    idx = in_v[s] * 4 + tg_v[s]
                    out_v[s] = tab.at[idx].get(mode="promise_in_bounds")

            pltpu.async_copy(out_v, out_hbm.at[:, pl.ds(off, COLS_C)], sem_o)

            @pl.when(ci + NBUF < NCHUNK)
            def _():
                noff = off + NBUF * COLS_C
                pltpu.async_copy(in_hbm.at[:, pl.ds(noff, COLS_C)], in_v, sem_i)
                pltpu.async_copy(tg_hbm.at[:, pl.ds(noff, COLS_C)], tg_v, sem_i)
        return 0

    lax.fori_loop(0, NCHUNK // NBUF, round_body, 0)

    for ci in range(max(NCHUNK - NBUF, 0), NCHUNK):
        _, _, out_v, _, sem_o = bufs[ci % NBUF]
        off = base + ci * COLS_C
        pltpu.make_async_copy(out_v, out_hbm.at[:, pl.ds(off, COLS_C)], sem_o).wait()


def kernel(input_, target, sim_lookup):
    out_t = _sc_lookup(
        input_.T.astype(jnp.int32),
        target.T.astype(jnp.int32),
        sim_lookup.astype(jnp.float32),
    )
    return out_t.T

# --- scband reference (transcript-rebuilt; emitter-appended) ---
"""Pipeline reference for scband-mention-sim-36172214567709 (READ-ONLY COPY).

The authoritative reference and input builder live on the scoring server;
editing this copy changes nothing except your own understanding.
"""

import jax, jax.numpy as jnp
import numpy as np

MENTION_SIZE = 4

def setup_inputs(seed: int = 0) -> dict:
    key = jax.random.key(seed)
    k1, k2 = jax.random.split(key)
    input_ = jax.random.randint(k1, (16384, 100), 0, 4, dtype=jnp.int64 if jax.config.jax_enable_x64 else jnp.int32)
    target = jax.random.randint(k2, (16384, 100), 0, 4, dtype=jnp.int64 if jax.config.jax_enable_x64 else jnp.int32)
    alpha = 0.5
    sim_lookup = jnp.asarray([
        1.0, 1.0 - alpha, 1.0, 0.0,
        1.0 - alpha, (1.0 - alpha) ** 2 + alpha ** 2, 1.0 - alpha, alpha,
        1.0, 1.0 - alpha, 1.0, 0.0,
        0.0, alpha, 0.0, 1.0,
    ], dtype=jnp.float32)
    return {"input_": input_, "target": target, "sim_lookup": sim_lookup}

def reference(input_, target, sim_lookup):
    assert input_.shape == target.shape
    lookup = input_ * MENTION_SIZE + target
    sim = jnp.take(sim_lookup, lookup, axis=0)
    return sim

if __name__ == "__main__":
    import jax
    _d = setup_inputs()
    print(jax.jit(kernel)(*tuple(_d.values())))

</pallas_src>

<mosaic_0001>
#map = affine_map<(d0, d1) -> (0, 0)>
#map1 = affine_map<(d0, d1) -> (0)>
module attributes {stable_mosaic.version = 14 : i64} {
  func.func @_sc_lookup(%arg0: i32, %arg1: i32, %arg2: memref<100x16384xi32, #tpu.memory_space<hbm>>, %arg3: memref<100x16384xi32, #tpu.memory_space<hbm>>, %arg4: memref<16xf32, #tpu.memory_space<hbm>>, %arg5: memref<100x16384xf32, #tpu.memory_space<hbm>>, %arg6: memref<16xf32, #tpu.memory_space<vmem>>, %arg7: memref<100x128xi32, #tpu.memory_space<vmem>>, %arg8: memref<100x128xi32, #tpu.memory_space<vmem>>, %arg9: memref<100x128xi32, #tpu.memory_space<vmem>>, %arg10: memref<100x128xi32, #tpu.memory_space<vmem>>, %arg11: memref<100x128xf32, #tpu.memory_space<vmem>>, %arg12: memref<100x128xf32, #tpu.memory_space<vmem>>, %arg13: memref<!tpu.dma_semaphore, #tpu.memory_space<semaphore_mem>>, %arg14: memref<!tpu.dma_semaphore, #tpu.memory_space<semaphore_mem>>, %arg15: memref<!tpu.dma_semaphore, #tpu.memory_space<semaphore_mem>>, %arg16: memref<!tpu.dma_semaphore, #tpu.memory_space<semaphore_mem>>) attributes {dimension_semantics = [#tpu.dimension_semantics<core_parallel>, #tpu.dimension_semantics<subcore_parallel>], iteration_bounds = array<i64: 2, 16>, scalar_prefetch = 0 : i64, scratch_operands = 11 : i64, tpu.core_type = #tpu.core_type<sc_vector_subcore>, window_params = [{transform_indices = #map}, {transform_indices = #map}, {transform_indices = #map1}, {transform_indices = #map}]} {
    %mul3A = arith.constant 2 : i32
    %mul3A_0 = arith.muli %arg1, %mul3A : i32
    %add3A = arith.addi %mul3A_0, %arg0 : i32
    %mul3A_1 = arith.constant 512 : i32
    %mul3A_2 = arith.muli %add3A, %mul3A_1 : i32
    %add3A_3 = arith.constant 0 : i32
    %add3A_4 = arith.addi %mul3A_2, %add3A_3 : i32
    %dma_start3A = arith.constant 0 : i32
    %dma_start3A_5 = tpu.memref_slice %arg2[%dma_start3A, %add3A_4] : memref<100x16384xi32, #tpu.memory_space<hbm>> -> memref<100x128xi32, #tpu.memory_space<hbm>>
    %dma_start3A_6 = arith.constant 0 : i32
    %dma_start3A_7 = tpu.memref_slice %arg2[%dma_start3A_6, %add3A_4] : memref<100x16384xi32, #tpu.memory_space<hbm>> -> memref<100x128xi32, #tpu.memory_space<hbm>>
    tpu.enqueue_dma source(%dma_start3A_7 : memref<100x128xi32, #tpu.memory_space<hbm>>) target(%arg7 : memref<100x128xi32, #tpu.memory_space<vmem>>) target_semaphore(%arg13 : memref<!tpu.dma_semaphore, #tpu.memory_space<semaphore_mem>>)
    %dma_start3A_8 = arith.constant 0 : i32
    %dma_start3A_9 = tpu.memref_slice %arg3[%dma_start3A_8, %add3A_4] : memref<100x16384xi32, #tpu.memory_space<hbm>> -> memref<100x128xi32, #tpu.memory_space<hbm>>
    %dma_start3A_10 = arith.constant 0 : i32
    %dma_start3A_11 = tpu.memref_slice %arg3[%dma_start3A_10, %add3A_4] : memref<100x16384xi32, #tpu.memory_space<hbm>> -> memref<100x128xi32, #tpu.memory_space<hbm>>
    tpu.enqueue_dma source(%dma_start3A_11 : memref<100x128xi32, #tpu.memory_space<hbm>>) target(%arg9 : memref<100x128xi32, #tpu.memory_space<vmem>>) target_semaphore(%arg13 : memref<!tpu.dma_semaphore, #tpu.memory_space<semaphore_mem>>)
    %add3A_12 = arith.constant 128 : i32
    %add3A_13 = arith.addi %mul3A_2, %add3A_12 : i32
    %dma_start3A_14 = arith.constant 0 : i32
    %dma_start3A_15 = tpu.memref_slice %arg2[%dma_start3A_14, %add3A_13] : memref<100x16384xi32, #tpu.memory_space<hbm>> -> memref<100x128xi32, #tpu.memory_space<hbm>>
    %dma_start3A_16 = arith.constant 0 : i32
    %dma_start3A_17 = tpu.memref_slice %arg2[%dma_start3A_16, %add3A_13] : memref<100x16384xi32, #tpu.memory_space<hbm>> -> memref<100x128xi32, #tpu.memory_space<hbm>>
    tpu.enqueue_dma source(%dma_start3A_17 : memref<100x128xi32, #tpu.memory_space<hbm>>) target(%arg8 : memref<100x128xi32, #tpu.memory_space<vmem>>) target_semaphore(%arg14 : memref<!tpu.dma_semaphore, #tpu.memory_space<semaphore_mem>>)
    %dma_start3A_18 = arith.constant 0 : i32
    %dma_start3A_19 = tpu.memref_slice %arg3[%dma_start3A_18, %add3A_13] : memref<100x16384xi32, #tpu.memory_space<hbm>> -> memref<100x128xi32, #tpu.memory_space<hbm>>
    %dma_start3A_20 = arith.constant 0 : i32
    %dma_start3A_21 = tpu.memref_slice %arg3[%dma_start3A_20, %add3A_13] : memref<100x16384xi32, #tpu.memory_space<hbm>> -> memref<100x128xi32, #tpu.memory_space<hbm>>
    tpu.enqueue_dma source(%dma_start3A_21 : memref<100x128xi32, #tpu.memory_space<hbm>>) target(%arg10 : memref<100x128xi32, #tpu.memory_space<vmem>>) target_semaphore(%arg14 : memref<!tpu.dma_semaphore, #tpu.memory_space<semaphore_mem>>)
    "tpu.region"() ({
      %run_scoped3A = tpu.sem_alloc : memref<!tpu.dma_semaphore, #tpu.memory_space<semaphore_mem>>
      tpu.enqueue_dma source(%arg4 : memref<16xf32, #tpu.memory_space<hbm>>) target(%arg6 : memref<16xf32, #tpu.memory_space<vmem>>) target_semaphore(%run_scoped3A : memref<!tpu.dma_semaphore, #tpu.memory_space<semaphore_mem>>)
      tpu.wait_dma2 semaphore(%run_scoped3A : memref<!tpu.dma_semaphore, #tpu.memory_space<semaphore_mem>>) src(%arg4 : memref<16xf32, #tpu.memory_space<hbm>>) dst(%arg6 : memref<16xf32, #tpu.memory_space<vmem>>)
      tpu.yield
    }) : () -> ()
    %get3A = arith.constant 0 : index
    %get3A_22 = tpu.vector_load %arg6[%get3A] {strides = array<i32>} : memref<16xf32, #tpu.memory_space<vmem>>, vector<16xf32>,
    %get3A_23 = vector.shape_cast %get3A_22 : vector<16xf32> to vector<16xf32>
    %scan3A = arith.constant 0 : i32
    %scan3A_24 = arith.constant 0 : i32
    %scan3A_25 = arith.constant 2 : i32
    %scan3A_26 = arith.addi %scan3A_24, %scan3A_25 : i32
    %scan3A_27 = arith.constant 1 : i32
    %scan3A_28 = scf.for %scan3A_41 = %scan3A_24 to %scan3A_26 step %scan3A_27 iter_args(%scan3A_42 = %scan3A) -> (i32)  : i32 {
      %mul3A_43 = arith.constant 2 : i32
      %mul3A_44 = arith.muli %scan3A_41, %mul3A_43 : i32
      %add3A_45 = arith.constant 0 : i32
      %add3A_46 = arith.addi %mul3A_44, %add3A_45 : i32
      %mul3A_47 = arith.constant 128 : i32
      %mul3A_48 = arith.muli %add3A_46, %mul3A_47 : i32
      %add3A_49 = arith.addi %mul3A_2, %mul3A_48 : i32
      %dma_wait3A_50 = arith.constant 0 : i32
      %dma_wait3A_51 = tpu.memref_slice %arg2[%dma_wait3A_50, %add3A_49] : memref<100x16384xi32, #tpu.memory_space<hbm>> -> memref<100x128xi32, #tpu.memory_space<hbm>>
      %dma_wait3A_52 = arith.constant 0 : i32
      %dma_wait3A_53 = tpu.memref_slice %arg2[%dma_wait3A_52, %add3A_49] : memref<100x16384xi32, #tpu.memory_space<hbm>> -> memref<100x128xi32, #tpu.memory_space<hbm>>
      tpu.wait_dma2 semaphore(%arg13 : memref<!tpu.dma_semaphore, #tpu.memory_space<semaphore_mem>>) src(%dma_wait3A_53 : memref<100x128xi32, #tpu.memory_space<hbm>>) dst(%arg7 : memref<100x128xi32, #tpu.memory_space<vmem>>)
      %dma_wait3A_54 = arith.constant 0 : i32
      %dma_wait3A_55 = tpu.memref_slice %arg3[%dma_wait3A_54, %add3A_49] : memref<100x16384xi32, #tpu.memory_space<hbm>> -> memref<100x128xi32, #tpu.memory_space<hbm>>
      %dma_wait3A_56 = arith.constant 0 : i32
      %dma_wait3A_57 = tpu.memref_slice %arg3[%dma_wait3A_56, %add3A_49] : memref<100x16384xi32, #tpu.memory_space<hbm>> -> memref<100x128xi32, #tpu.memory_space<hbm>>
      tpu.wait_dma2 semaphore(%arg13 : memref<!tpu.dma_semaphore, #tpu.memory_space<semaphore_mem>>) src(%dma_wait3A_57 : memref<100x128xi32, #tpu.memory_space<hbm>>) dst(%arg9 : memref<100x128xi32, #tpu.memory_space<vmem>>)
      %ge3A = arith.constant 2 : i32
      %ge3A_58 = arith.cmpi sge, %add3A_46, %ge3A : i32
      %convert_element_type3A = arith.extui %ge3A_58 : i1 to i32
      %cond3A = arith.constant 0 : i32
      %cond3A_59 = arith.cmpi ne, %convert_element_type3A, %cond3A : i32
      scf.if %cond3A_59 {
        %sub3A = arith.constant 256 : i32
        %sub3A_107 = arith.subi %add3A_49, %sub3A : i32
        %dma_wait3A_108 = arith.constant 0 : i32
        %dma_wait3A_109 = tpu.memref_slice %arg5[%dma_wait3A_108, %sub3A_107] : memref<100x16384xf32, #tpu.memory_space<hbm>> -> memref<100x128xf32, #tpu.memory_space<hbm>>
        %dma_wait3A_110 = arith.constant 0 : i32
        %dma_wait3A_111 = tpu.memref_slice %arg5[%dma_wait3A_110, %sub3A_107] : memref<100x16384xf32, #tpu.memory_space<hbm>> -> memref<100x128xf32, #tpu.memory_space<hbm>>
        tpu.wait_dma2 semaphore(%arg15 : memref<!tpu.dma_semaphore, #tpu.memory_space<semaphore_mem>>) src(%arg11 : memref<100x128xf32, #tpu.memory_space<vmem>>) dst(%dma_wait3A_111 : memref<100x128xf32, #tpu.memory_space<hbm>>)
      } else {
      }
      %parallel_loop3A = arith.constant 0 : i32
      %parallel_loop3A_60 = arith.constant 100 : i32
      %parallel_loop3A_61 = arith.constant 1 : i32
      scf.for %parallel_loop3A_107 = %parallel_loop3A to %parallel_loop3A_60 step %parallel_loop3A_61  : i32 {
        %parallel_loop3A_108 = arith.index_cast %parallel_loop3A_107 : i32 to index
        %parallel_loop3A_109 = arith.constant 0 : index
        %parallel_loop3A_110 = tpu.vector_load %arg7[%parallel_loop3A_108, %parallel_loop3A_109] {strides = array<i32>} : memref<100x128xi32, #tpu.memory_space<vmem>>, vector<1x16xi32>,
        %parallel_loop3A_111 = vector.shape_cast %parallel_loop3A_110 : vector<1x16xi32> to vector<16xi32>
        %parallel_loop3A_112 = arith.constant 4 : i32
        %parallel_loop3A_113 = vector.broadcast %parallel_loop3A_112 : i32 to vector<16xi32>
        %parallel_loop3A_114 = arith.muli %parallel_loop3A_111, %parallel_loop3A_113 : vector<16xi32>
        %parallel_loop3A_115 = arith.index_cast %parallel_loop3A_107 : i32 to index
        %parallel_loop3A_116 = arith.constant 0 : index
        %parallel_loop3A_117 = tpu.vector_load %arg9[%parallel_loop3A_115, %parallel_loop3A_116] {strides = array<i32>} : memref<100x128xi32, #tpu.memory_space<vmem>>, vector<1x16xi32>,
        %parallel_loop3A_118 = vector.shape_cast %parallel_loop3A_117 : vector<1x16xi32> to vector<16xi32>
        %parallel_loop3A_119 = arith.addi %parallel_loop3A_114, %parallel_loop3A_118 : vector<16xi32>
        %parallel_loop3A_120 = arith.constant 0 : i32
        %parallel_loop3A_121 = vector.broadcast %parallel_loop3A_120 : i32 to vector<16xi32>
        %parallel_loop3A_122 = arith.cmpi slt, %parallel_loop3A_119, %parallel_loop3A_121 : vector<16xi32>
        %parallel_loop3A_123 = arith.constant 16 : i32
        %parallel_loop3A_124 = vector.broadcast %parallel_loop3A_123 : i32 to vector<16xi32>
        %parallel_loop3A_125 = arith.addi %parallel_loop3A_119, %parallel_loop3A_124 : vector<16xi32>
        %parallel_loop3A_126 = arith.select %parallel_loop3A_122, %parallel_loop3A_125, %parallel_loop3A_119 : vector<16xi1>, vector<16xi32>
        %parallel_loop3A_127 = vector.shape_cast %parallel_loop3A_126 : vector<16xi32> to vector<16x1xi32>
        %parallel_loop3A_128 = vector.shape_cast %parallel_loop3A_127 : vector<16x1xi32> to vector<16xi32>
        %parallel_loop3A_129 = tpu.dynamic_gather %get3A_23[%parallel_loop3A_128] in [0] : vector<16xf32>, vector<16xi32> -> vector<16xf32>
        %parallel_loop3A_130 = arith.index_cast %parallel_loop3A_107 : i32 to index
        %parallel_loop3A_131 = arith.constant 0 : index
        %parallel_loop3A_132 = tpu.vector_load %arg11[%parallel_loop3A_130, %parallel_loop3A_131] {strides = array<i32>} : memref<100x128xf32, #tpu.memory_space<vmem>>, vector<1x16xf32>,
        %parallel_loop3A_133 = vector.shape_cast %parallel_loop3A_132 : vector<1x16xf32> to vector<16xf32>
        %parallel_loop3A_134 = vector.shape_cast %parallel_loop3A_129 : vector<16xf32> to vector<1x16xf32>
        tpu.vector_store %arg11[%parallel_loop3A_130, %parallel_loop3A_131], %parallel_loop3A_134 {strides = array<i32>} : memref<100x128xf32, #tpu.memory_space<vmem>>, vector<1x16xf32>,
        %parallel_loop3A_135 = arith.index_cast %parallel_loop3A_107 : i32 to index
        %parallel_loop3A_136 = arith.constant 16 : index
        %parallel_loop3A_137 = tpu.vector_load %arg7[%parallel_loop3A_135, %parallel_loop3A_136] {strides = array<i32>} : memref<100x128xi32, #tpu.memory_space<vmem>>, vector<1x16xi32>,
        %parallel_loop3A_138 = vector.shape_cast %parallel_loop3A_137 : vector<1x16xi32> to vector<16xi32>
        %parallel_loop3A_139 = arith.constant 4 : i32
        %parallel_loop3A_140 = vector.broadcast %parallel_loop3A_139 : i32 to vector<16xi32>
        %parallel_loop3A_141 = arith.muli %parallel_loop3A_138, %parallel_loop3A_140 : vector<16xi32>
        %parallel_loop3A_142 = arith.index_cast %parallel_loop3A_107 : i32 to index
        %parallel_loop3A_143 = arith.constant 16 : index
        %parallel_loop3A_144 = tpu.vector_load %arg9[%parallel_loop3A_142, %parallel_loop3A_143] {strides = array<i32>} : memref<100x128xi32, #tpu.memory_space<vmem>>, vector<1x16xi32>,
        %parallel_loop3A_145 = vector.shape_cast %parallel_loop3A_144 : vector<1x16xi32> to vector<16xi32>
        %parallel_loop3A_146 = arith.addi %parallel_loop3A_141, %parallel_loop3A_145 : vector<16xi32>
        %parallel_loop3A_147 = arith.constant 0 : i32
        %parallel_loop3A_148 = vector.broadcast %parallel_loop3A_147 : i32 to vector<16xi32>
        %parallel_loop3A_149 = arith.cmpi slt, %parallel_loop3A_146, %parallel_loop3A_148 : vector<16xi32>
        %parallel_loop3A_150 = arith.constant 16 : i32
        %parallel_loop3A_151 = vector.broadcast %parallel_loop3A_150 : i32 to vector<16xi32>
        %parallel_loop3A_152 = arith.addi %parallel_loop3A_146, %parallel_loop3A_151 : vector<16xi32>
        %parallel_loop3A_153 = arith.select %parallel_loop3A_149, %parallel_loop3A_152, %parallel_loop3A_146 : vector<16xi1>, vector<16xi32>
        %parallel_loop3A_154 = vector.shape_cast %parallel_loop3A_153 : vector<16xi32> to vector<16x1xi32>
        %parallel_loop3A_155 = vector.shape_cast %parallel_loop3A_154 : vector<16x1xi32> to vector<16xi32>
        %parallel_loop3A_156 = tpu.dynamic_gather %get3A_23[%parallel_loop3A_155] in [0] : vector<16xf32>, vector<16xi32> -> vector<16xf32>
        %parallel_loop3A_157 = arith.index_cast %parallel_loop3A_107 : i32 to index
        %parallel_loop3A_158 = arith.constant 16 : index
        %parallel_loop3A_159 = tpu.vector_load %arg11[%parallel_loop3A_157, %parallel_loop3A_158] {strides = array<i32>} : memref<100x128xf32, #tpu.memory_space<vmem>>, vector<1x16xf32>,
        %parallel_loop3A_160 = vector.shape_cast %parallel_loop3A_159 : vector<1x16xf32> to vector<16xf32>
        %parallel_loop3A_161 = vector.shape_cast %parallel_loop3A_156 : vector<16xf32> to vector<1x16xf32>
        tpu.vector_store %arg11[%parallel_loop3A_157, %parallel_loop3A_158], %parallel_loop3A_161 {strides = array<i32>} : memref<100x128xf32, #tpu.memory_space<vmem>>, vector<1x16xf32>,
        %parallel_loop3A_162 = arith.index_cast %parallel_loop3A_107 : i32 to index
        %parallel_loop3A_163 = arith.constant 32 : index
        %parallel_loop3A_164 = tpu.vector_load %arg7[%parallel_loop3A_162, %parallel_loop3A_163] {strides = array<i32>} : memref<100x128xi32, #tpu.memory_space<vmem>>, vector<1x16xi32>,
        %parallel_loop3A_165 = vector.shape_cast %parallel_loop3A_164 : vector<1x16xi32> to vector<16xi32>
        %parallel_loop3A_166 = arith.constant 4 : i32
        %parallel_loop3A_167 = vector.broadcast %parallel_loop3A_166 : i32 to vector<16xi32>
        %parallel_loop3A_168 = arith.muli %parallel_loop3A_165, %parallel_loop3A_167 : vector<16xi32>
        %parallel_loop3A_169 = arith.index_cast %parallel_loop3A_107 : i32 to index
        %parallel_loop3A_170 = arith.constant 32 : index
        %parallel_loop3A_171 = tpu.vector_load %arg9[%parallel_loop3A_169, %parallel_loop3A_170] {strides = array<i32>} : memref<100x128xi32, #tpu.memory_space<vmem>>, vector<1x16xi32>,
        %parallel_loop3A_172 = vector.shape_cast %parallel_loop3A_171 : vector<1x16xi32> to vector<16xi32>
        %parallel_loop3A_173 = arith.addi %parallel_loop3A_168, %parallel_loop3A_172 : vector<16xi32>
        %parallel_loop3A_174 = arith.constant 0 : i32
        %parallel_loop3A_175 = vector.broadcast %parallel_loop3A_174 : i32 to vector<16xi32>
        %parallel_loop3A_176 = arith.cmpi slt, %parallel_loop3A_173, %parallel_loop3A_175 : vector<16xi32>
        %parallel_loop3A_177 = arith.constant 16 : i32
        %parallel_loop3A_178 = vector.broadcast %parallel_loop3A_177 : i32 to vector<16xi32>
        %parallel_loop3A_179 = arith.addi %parallel_loop3A_173, %parallel_loop3A_178 : vector<16xi32>
        %parallel_loop3A_180 = arith.select %parallel_loop3A_176, %parallel_loop3A_179, %parallel_loop3A_173 : vector<16xi1>, vector<16xi32>
        %parallel_loop3A_181 = vector.shape_cast %parallel_loop3A_180 : vector<16xi32> to vector<16x1xi32>
        %parallel_loop3A_182 = vector.shape_cast %parallel_loop3A_181 : vector<16x1xi32> to vector<16xi32>
        %parallel_loop3A_183 = tpu.dynamic_gather %get3A_23[%parallel_loop3A_182] in [0] : vector<16xf32>, vector<16xi32> -> vector<16xf32>
        %parallel_loop3A_184 = arith.index_cast %parallel_loop3A_107 : i32 to index
        %parallel_loop3A_185 = arith.constant 32 : index
        %parallel_loop3A_186 = tpu.vector_load %arg11[%parallel_loop3A_184, %parallel_loop3A_185] {strides = array<i32>} : memref<100x128xf32, #tpu.memory_space<vmem>>, vector<1x16xf32>,
        %parallel_loop3A_187 = vector.shape_cast %parallel_loop3A_186 : vector<1x16xf32> to vector<16xf32>
        %parallel_loop3A_188 = vector.shape_cast %parallel_loop3A_183 : vector<16xf32> to vector<1x16xf32>
        tpu.vector_store %arg11[%parallel_loop3A_184, %parallel_loop3A_185], %parallel_loop3A_188 {strides = array<i32>} : memref<100x128xf32, #tpu.memory_space<vmem>>, vector<1x16xf32>,
        %parallel_loop3A_189 = arith.index_cast %parallel_loop3A_107 : i32 to index
        %parallel_loop3A_190 = arith.constant 48 : index
        %parallel_loop3A_191 = tpu.vector_load %arg7[%parallel_loop3A_189, %parallel_loop3A_190] {strides = array<i32>} : memref<100x128xi32, #tpu.memory_space<vmem>>, vector<1x16xi32>,
        %parallel_loop3A_192 = vector.shape_cast %parallel_loop3A_191 : vector<1x16xi32> to vector<16xi32>
        %parallel_loop3A_193 = arith.constant 4 : i32
        %parallel_loop3A_194 = vector.broadcast %parallel_loop3A_193 : i32 to vector<16xi32>
        %parallel_loop3A_195 = arith.muli %parallel_loop3A_192, %parallel_loop3A_194 : vector<16xi32>
        %parallel_loop3A_196 = arith.index_cast %parallel_loop3A_107 : i32 to index
        %parallel_loop3A_197 = arith.constant 48 : index
        %parallel_loop3A_198 = tpu.vector_load %arg9[%parallel_loop3A_196, %parallel_loop3A_197] {strides = array<i32>} : memref<100x128xi32, #tpu.memory_space<vmem>>, vector<1x16xi32>,
        %parallel_loop3A_199 = vector.shape_cast %parallel_loop3A_198 : vector<1x16xi32> to vector<16xi32>
        %parallel_loop3A_200 = arith.addi %parallel_loop3A_195, %parallel_loop3A_199 : vector<16xi32>
        %parallel_loop3A_201 = arith.constant 0 : i32
        %parallel_loop3A_202 = vector.broadcast %parallel_loop3A_201 : i32 to vector<16xi32>
        %parallel_loop3A_203 = arith.cmpi slt, %parallel_loop3A_200, %parallel_loop3A_202 : vector<16xi32>
        %parallel_loop3A_204 = arith.constant 16 : i32
        %parallel_loop3A_205 = vector.broadcast %parallel_loop3A_204 : i32 to vector<16xi32>
        %parallel_loop3A_206 = arith.addi %parallel_loop3A_200, %parallel_loop3A_205 : vector<16xi32>
        %parallel_loop3A_207 = arith.select %parallel_loop3A_203, %parallel_loop3A_206, %parallel_loop3A_200 : vector<16xi1>, vector<16xi32>
        %parallel_loop3A_208 = vector.shape_cast %parallel_loop3A_207 : vector<16xi32> to vector<16x1xi32>
        %parallel_loop3A_209 = vector.shape_cast %parallel_loop3A_208 : vector<16x1xi32> to vector<16xi32>
        %parallel_loop3A_210 = tpu.dynamic_gather %get3A_23[%parallel_loop3A_209] in [0] : vector<16xf32>, vector<16xi32> -> vector<16xf32>
        %parallel_loop3A_211 = arith.index_cast %parallel_loop3A_107 : i32 to index
        %parallel_loop3A_212 = arith.constant 48 : index
        %parallel_loop3A_213 = tpu.vector_load %arg11[%parallel_loop3A_211, %parallel_loop3A_212] {strides = array<i32>} : memref<100x128xf32, #tpu.memory_space<vmem>>, vector<1x16xf32>,
        %parallel_loop3A_214 = vector.shape_cast %parallel_loop3A_213 : vector<1x16xf32> to vector<16xf32>
        %parallel_loop3A_215 = vector.shape_cast %parallel_loop3A_210 : vector<16xf32> to vector<1x16xf32>
        tpu.vector_store %arg11[%parallel_loop3A_211, %parallel_loop3A_212], %parallel_loop3A_215 {strides = array<i32>} : memref<100x128xf32, #tpu.memory_space<vmem>>, vector<1x16xf32>,
        %parallel_loop3A_216 = arith.index_cast %parallel_loop3A_107 : i32 to index
        %parallel_loop3A_217 = arith.constant 64 : index
        %parallel_loop3A_218 = tpu.vector_load %arg7[%parallel_loop3A_216, %parallel_loop3A_217] {strides = array<i32>} : memref<100x128xi32, #tpu.memory_space<vmem>>, vector<1x16xi32>,
        %parallel_loop3A_219 = vector.shape_cast %parallel_loop3A_218 : vector<1x16xi32> to vector<16xi32>
        %parallel_loop3A_220 = arith.constant 4 : i32
        %parallel_loop3A_221 = vector.broadcast %parallel_loop3A_220 : i32 to vector<16xi32>
        %parallel_loop3A_222 = arith.muli %parallel_loop3A_219, %parallel_loop3A_221 : vector<16xi32>
        %parallel_loop3A_223 = arith.index_cast %parallel_loop3A_107 : i32 to index
        %parallel_loop3A_224 = arith.constant 64 : index
        %parallel_loop3A_225 = tpu.vector_load %arg9[%parallel_loop3A_223, %parallel_loop3A_224] {strides = array<i32>} : memref<100x128xi32, #tpu.memory_space<vmem>>, vector<1x16xi32>,
        %parallel_loop3A_226 = vector.shape_cast %parallel_loop3A_225 : vector<1x16xi32> to vector<16xi32>
        %parallel_loop3A_227 = arith.addi %parallel_loop3A_222, %parallel_loop3A_226 : vector<16xi32>
        %parallel_loop3A_228 = arith.constant 0 : i32
        %parallel_loop3A_229 = vector.broadcast %parallel_loop3A_228 : i32 to vector<16xi32>
        %parallel_loop3A_230 = arith.cmpi slt, %parallel_loop3A_227, %parallel_loop3A_229 : vector<16xi32>
        %parallel_loop3A_231 = arith.constant 16 : i32
        %parallel_loop3A_232 = vector.broadcast %parallel_loop3A_231 : i32 to vector<16xi32>
        %parallel_loop3A_233 = arith.addi %parallel_loop3A_227, %parallel_loop3A_232 : vector<16xi32>
        %parallel_loop3A_234 = arith.select %parallel_loop3A_230, %parallel_loop3A_233, %parallel_loop3A_227 : vector<16xi1>, vector<16xi32>
        %parallel_loop3A_235 = vector.shape_cast %parallel_loop3A_234 : vector<16xi32> to vector<16x1xi32>
        %parallel_loop3A_236 = vector.shape_cast %parallel_loop3A_235 : vector<16x1xi32> to vector<16xi32>
        %parallel_loop3A_237 = tpu.dynamic_gather %get3A_23[%parallel_loop3A_236] in [0] : vector<16xf32>, vector<16xi32> -> vector<16xf32>
        %parallel_loop3A_238 = arith.index_cast %parallel_loop3A_107 : i32 to index
        %parallel_loop3A_239 = arith.constant 64 : index
        %parallel_loop3A_240 = tpu.vector_load %arg11[%parallel_loop3A_238, %parallel_loop3A_239] {strides = array<i32>} : memref<100x128xf32, #tpu.memory_space<vmem>>, vector<1x16xf32>,
        %parallel_loop3A_241 = vector.shape_cast %parallel_loop3A_240 : vector<1x16xf32> to vector<16xf32>
        %parallel_loop3A_242 = vector.shape_cast %parallel_loop3A_237 : vector<16xf32> to vector<1x16xf32>
        tpu.vector_store %arg11[%parallel_loop3A_238, %parallel_loop3A_239], %parallel_loop3A_242 {strides = array<i32>} : memref<100x128xf32, #tpu.memory_space<vmem>>, vector<1x16xf32>,
        %parallel_loop3A_243 = arith.index_cast %parallel_loop3A_107 : i32 to index
        %parallel_loop3A_244 = arith.constant 80 : index
        %parallel_loop3A_245 = tpu.vector_load %arg7[%parallel_loop3A_243, %parallel_loop3A_244] {strides = array<i32>} : memref<100x128xi32, #tpu.memory_space<vmem>>, vector<1x16xi32>,
        %parallel_loop3A_246 = vector.shape_cast %parallel_loop3A_245 : vector<1x16xi32> to vector<16xi32>
        %parallel_loop3A_247 = arith.constant 4 : i32
        %parallel_loop3A_248 = vector.broadcast %parallel_loop3A_247 : i32 to vector<16xi32>
        %parallel_loop3A_249 = arith.muli %parallel_loop3A_246, %parallel_loop3A_248 : vector<16xi32>
        %parallel_loop3A_250 = arith.index_cast %parallel_loop3A_107 : i32 to index
        %parallel_loop3A_251 = arith.constant 80 : index
        %parallel_loop3A_252 = tpu.vector_load %arg9[%parallel_loop3A_250, %parallel_loop3A_251] {strides = array<i32>} : memref<100x128xi32, #tpu.memory_space<vmem>>, vector<1x16xi32>,
        %parallel_loop3A_253 = vector.shape_cast %parallel_loop3A_252 : vector<1x16xi32> to vector<16xi32>
        %parallel_loop3A_254 = arith.addi %parallel_loop3A_249, %parallel_loop3A_253 : vector<16xi32>
        %parallel_loop3A_255 = arith.constant 0 : i32
        %parallel_loop3A_256 = vector.broadcast %parallel_loop3A_255 : i32 to vector<16xi32>
        %parallel_loop3A_257 = arith.cmpi slt, %parallel_loop3A_254, %parallel_loop3A_256 : vector<16xi32>
        %parallel_loop3A_258 = arith.constant 16 : i32
        %parallel_loop3A_259 = vector.broadcast %parallel_loop3A_258 : i32 to vector<16xi32>
        %parallel_loop3A_260 = arith.addi %parallel_loop3A_254, %parallel_loop3A_259 : vector<16xi32>
        %parallel_loop3A_261 = arith.select %parallel_loop3A_257, %parallel_loop3A_260, %parallel_loop3A_254 : vector<16xi1>, vector<16xi32>
        %parallel_loop3A_262 = vector.shape_cast %parallel_loop3A_261 : vector<16xi32> to vector<16x1xi32>
        %parallel_loop3A_263 = vector.shape_cast %parallel_loop3A_262 : vector<16x1xi32> to vector<16xi32>
        %parallel_loop3A_264 = tpu.dynamic_gather %get3A_23[%parallel_loop3A_263] in [0] : vector<16xf32>, vector<16xi32> -> vector<16xf32>
        %parallel_loop3A_265 = arith.index_cast %parallel_loop3A_107 : i32 to index
        %parallel_loop3A_266 = arith.constant 80 : index
        %parallel_loop3A_267 = tpu.vector_load %arg11[%parallel_loop3A_265, %parallel_loop3A_266] {strides = array<i32>} : memref<100x128xf32, #tpu.memory_space<vmem>>, vector<1x16xf32>,
        %parallel_loop3A_268 = vector.shape_cast %parallel_loop3A_267 : vector<1x16xf32> to vector<16xf32>
        %parallel_loop3A_269 = vector.shape_cast %parallel_loop3A_264 : vector<16xf32> to vector<1x16xf32>
        tpu.vector_store %arg11[%parallel_loop3A_265, %parallel_loop3A_266], %parallel_loop3A_269 {strides = array<i32>} : memref<100x128xf32, #tpu.memory_space<vmem>>, vector<1x16xf32>,
        %parallel_loop3A_270 = arith.index_cast %parallel_loop3A_107 : i32 to index
        %parallel_loop3A_271 = arith.constant 96 : index
        %parallel_loop3A_272 = tpu.vector_load %arg7[%parallel_loop3A_270, %parallel_loop3A_271] {strides = array<i32>} : memref<100x128xi32, #tpu.memory_space<vmem>>, vector<1x16xi32>,
        %parallel_loop3A_273 = vector.shape_cast %parallel_loop3A_272 : vector<1x16xi32> to vector<16xi32>
        %parallel_loop3A_274 = arith.constant 4 : i32
        %parallel_loop3A_275 = vector.broadcast %parallel_loop3A_274 : i32 to vector<16xi32>
        %parallel_loop3A_276 = arith.muli %parallel_loop3A_273, %parallel_loop3A_275 : vector<16xi32>
        %parallel_loop3A_277 = arith.index_cast %parallel_loop3A_107 : i32 to index
        %parallel_loop3A_278 = arith.constant 96 : index
        %parallel_loop3A_279 = tpu.vector_load %arg9[%parallel_loop3A_277, %parallel_loop3A_278] {strides = array<i32>} : memref<100x128xi32, #tpu.memory_space<vmem>>, vector<1x16xi32>,
        %parallel_loop3A_280 = vector.shape_cast %parallel_loop3A_279 : vector<1x16xi32> to vector<16xi32>
        %parallel_loop3A_281 = arith.addi %parallel_loop3A_276, %parallel_loop3A_280 : vector<16xi32>
        %parallel_loop3A_282 = arith.constant 0 : i32
        %parallel_loop3A_283 = vector.broadcast %parallel_loop3A_282 : i32 to vector<16xi32>
        %parallel_loop3A_284 = arith.cmpi slt, %parallel_loop3A_281, %parallel_loop3A_283 : vector<16xi32>
        %parallel_loop3A_285 = arith.constant 16 : i32
        %parallel_loop3A_286 = vector.broadcast %parallel_loop3A_285 : i32 to vector<16xi32>
        %parallel_loop3A_287 = arith.addi %parallel_loop3A_281, %parallel_loop3A_286 : vector<16xi32>
        %parallel_loop3A_288 = arith.select %parallel_loop3A_284, %parallel_loop3A_287, %parallel_loop3A_281 : vector<16xi1>, vector<16xi32>
        %parallel_loop3A_289 = vector.shape_cast %parallel_loop3A_288 : vector<16xi32> to vector<16x1xi32>
        %parallel_loop3A_290 = vector.shape_cast %parallel_loop3A_289 : vector<16x1xi32> to vector<16xi32>
        %parallel_loop3A_291 = tpu.dynamic_gather %get3A_23[%parallel_loop3A_290] in [0] : vector<16xf32>, vector<16xi32> -> vector<16xf32>
        %parallel_loop3A_292 = arith.index_cast %parallel_loop3A_107 : i32 to index
        %parallel_loop3A_293 = arith.constant 96 : index
        %parallel_loop3A_294 = tpu.vector_load %arg11[%parallel_loop3A_292, %parallel_loop3A_293] {strides = array<i32>} : memref<100x128xf32, #tpu.memory_space<vmem>>, vector<1x16xf32>,
        %parallel_loop3A_295 = vector.shape_cast %parallel_loop3A_294 : vector<1x16xf32> to vector<16xf32>
        %parallel_loop3A_296 = vector.shape_cast %parallel_loop3A_291 : vector<16xf32> to vector<1x16xf32>
        tpu.vector_store %arg11[%parallel_loop3A_292, %parallel_loop3A_293], %parallel_loop3A_296 {strides = array<i32>} : memref<100x128xf32, #tpu.memory_space<vmem>>, vector<1x16xf32>,
        %parallel_loop3A_297 = arith.index_cast %parallel_loop3A_107 : i32 to index
        %parallel_loop3A_298 = arith.constant 112 : index
        %parallel_loop3A_299 = tpu.vector_load %arg7[%parallel_loop3A_297, %parallel_loop3A_298] {strides = array<i32>} : memref<100x128xi32, #tpu.memory_space<vmem>>, vector<1x16xi32>,
        %parallel_loop3A_300 = vector.shape_cast %parallel_loop3A_299 : vector<1x16xi32> to vector<16xi32>
        %parallel_loop3A_301 = arith.constant 4 : i32
        %parallel_loop3A_302 = vector.broadcast %parallel_loop3A_301 : i32 to vector<16xi32>
        %parallel_loop3A_303 = arith.muli %parallel_loop3A_300, %parallel_loop3A_302 : vector<16xi32>
        %parallel_loop3A_304 = arith.index_cast %parallel_loop3A_107 : i32 to index
        %parallel_loop3A_305 = arith.constant 112 : index
        %parallel_loop3A_306 = tpu.vector_load %arg9[%parallel_loop3A_304, %parallel_loop3A_305] {strides = array<i32>} : memref<100x128xi32, #tpu.memory_space<vmem>>, vector<1x16xi32>,
        %parallel_loop3A_307 = vector.shape_cast %parallel_loop3A_306 : vector<1x16xi32> to vector<16xi32>
        %parallel_loop3A_308 = arith.addi %parallel_loop3A_303, %parallel_loop3A_307 : vector<16xi32>
        %parallel_loop3A_309 = arith.constant 0 : i32
        %parallel_loop3A_310 = vector.broadcast %parallel_loop3A_309 : i32 to vector<16xi32>
        %parallel_loop3A_311 = arith.cmpi slt, %parallel_loop3A_308, %parallel_loop3A_310 : vector<16xi32>
        %parallel_loop3A_312 = arith.constant 16 : i32
        %parallel_loop3A_313 = vector.broadcast %parallel_loop3A_312 : i32 to vector<16xi32>
        %parallel_loop3A_314 = arith.addi %parallel_loop3A_308, %parallel_loop3A_313 : vector<16xi32>
        %parallel_loop3A_315 = arith.select %parallel_loop3A_311, %parallel_loop3A_314, %parallel_loop3A_308 : vector<16xi1>, vector<16xi32>
        %parallel_loop3A_316 = vector.shape_cast %parallel_loop3A_315 : vector<16xi32> to vector<16x1xi32>
        %parallel_loop3A_317 = vector.shape_cast %parallel_loop3A_316 : vector<16x1xi32> to vector<16xi32>
        %parallel_loop3A_318 = tpu.dynamic_gather %get3A_23[%parallel_loop3A_317] in [0] : vector<16xf32>, vector<16xi32> -> vector<16xf32>
        %parallel_loop3A_319 = arith.index_cast %parallel_loop3A_107 : i32 to index
        %parallel_loop3A_320 = arith.constant 112 : index
        %parallel_loop3A_321 = tpu.vector_load %arg11[%parallel_loop3A_319, %parallel_loop3A_320] {strides = array<i32>} : memref<100x128xf32, #tpu.memory_space<vmem>>, vector<1x16xf32>,
        %parallel_loop3A_322 = vector.shape_cast %parallel_loop3A_321 : vector<1x16xf32> to vector<16xf32>
        %parallel_loop3A_323 = vector.shape_cast %parallel_loop3A_318 : vector<16xf32> to vector<1x16xf32>
        tpu.vector_store %arg11[%parallel_loop3A_319, %parallel_loop3A_320], %parallel_loop3A_323 {strides = array<i32>} : memref<100x128xf32, #tpu.memory_space<vmem>>, vector<1x16xf32>,
      } {sc.loop_unroll_factor = 2 : i64, sc.parallel_access}
      %dma_start3A_62 = arith.constant 0 : i32
      %dma_start3A_63 = tpu.memref_slice %arg5[%dma_start3A_62, %add3A_49] : memref<100x16384xf32, #tpu.memory_space<hbm>> -> memref<100x128xf32, #tpu.memory_space<hbm>>
      %dma_start3A_64 = arith.constant 0 : i32
      %dma_start3A_65 = tpu.memref_slice %arg5[%dma_start3A_64, %add3A_49] : memref<100x16384xf32, #tpu.memory_space<hbm>> -> memref<100x128xf32, #tpu.memory_space<hbm>>
      tpu.enqueue_dma source(%arg11 : memref<100x128xf32, #tpu.memory_space<vmem>>) target(%dma_start3A_65 : memref<100x128xf32, #tpu.memory_space<hbm>>) target_semaphore(%arg15 : memref<!tpu.dma_semaphore, #tpu.memory_space<semaphore_mem>>)
      %add3A_66 = arith.constant 2 : i32
      %add3A_67 = arith.addi %add3A_46, %add3A_66 : i32
      %lt3A = arith.constant 4 : i32
      %lt3A_68 = arith.cmpi slt, %add3A_67, %lt3A : i32
      %convert_element_type3A_69 = arith.extui %lt3A_68 : i1 to i32
      %cond3A_70 = arith.constant 0 : i32
      %cond3A_71 = arith.cmpi ne, %convert_element_type3A_69, %cond3A_70 : i32
      scf.if %cond3A_71 {
        %add3A_107 = arith.constant 256 : i32
        %add3A_108 = arith.addi %add3A_49, %add3A_107 : i32
        %dma_start3A_109 = arith.constant 0 : i32
        %dma_start3A_110 = tpu.memref_slice %arg2[%dma_start3A_109, %add3A_108] : memref<100x16384xi32, #tpu.memory_space<hbm>> -> memref<100x128xi32, #tpu.memory_space<hbm>>
        %dma_start3A_111 = arith.constant 0 : i32
        %dma_start3A_112 = tpu.memref_slice %arg2[%dma_start3A_111, %add3A_108] : memref<100x16384xi32, #tpu.memory_space<hbm>> -> memref<100x128xi32, #tpu.memory_space<hbm>>
        tpu.enqueue_dma source(%dma_start3A_112 : memref<100x128xi32, #tpu.memory_space<hbm>>) target(%arg7 : memref<100x128xi32, #tpu.memory_space<vmem>>) target_semaphore(%arg13 : memref<!tpu.dma_semaphore, #tpu.memory_space<semaphore_mem>>)
        %dma_start3A_113 = arith.constant 0 : i32
        %dma_start3A_114 = tpu.memref_slice %arg3[%dma_start3A_113, %add3A_108] : memref<100x16384xi32, #tpu.memory_space<hbm>> -> memref<100x128xi32, #tpu.memory_space<hbm>>
        %dma_start3A_115 = arith.constant 0 : i32
        %dma_start3A_116 = tpu.memref_slice %arg3[%dma_start3A_115, %add3A_108] : memref<100x16384xi32, #tpu.memory_space<hbm>> -> memref<100x128xi32, #tpu.memory_space<hbm>>
        tpu.enqueue_dma source(%dma_start3A_116 : memref<100x128xi32, #tpu.memory_space<hbm>>) target(%arg9 : memref<100x128xi32, #tpu.memory_space<vmem>>) target_semaphore(%arg13 : memref<!tpu.dma_semaphore, #tpu.memory_space<semaphore_mem>>)
      } else {
      }
      %mul3A_72 = arith.constant 2 : i32
      %mul3A_73 = arith.muli %scan3A_41, %mul3A_72 : i32
      %add3A_74 = arith.constant 1 : i32
      %add3A_75 = arith.addi %mul3A_73, %add3A_74 : i32
      %mul3A_76 = arith.constant 128 : i32
      %mul3A_77 = arith.muli %add3A_75, %mul3A_76 : i32
      %add3A_78 = arith.addi %mul3A_2, %mul3A_77 : i32
      %dma_wait3A_79 = arith.constant 0 : i32
      %dma_wait3A_80 = tpu.memref_slice %arg2[%dma_wait3A_79, %add3A_78] : memref<100x16384xi32, #tpu.memory_space<hbm>> -> memref<100x128xi32, #tpu.memory_space<hbm>>
      %dma_wait3A_81 = arith.constant 0 : i32
      %dma_wait3A_82 = tpu.memref_slice %arg2[%dma_wait3A_81, %add3A_78] : memref<100x16384xi32, #tpu.memory_space<hbm>> -> memref<100x128xi32, #tpu.memory_space<hbm>>
      tpu.wait_dma2 semaphore(%arg14 : memref<!tpu.dma_semaphore, #tpu.memory_space<semaphore_mem>>) src(%dma_wait3A_82 : memref<100x128xi32, #tpu.memory_space<hbm>>) dst(%arg8 : memref<100x128xi32, #tpu.memory_space<vmem>>)
      %dma_wait3A_83 = arith.constant 0 : i32
      %dma_wait3A_84 = tpu.memref_slice %arg3[%dma_wait3A_83, %add3A_78] : memref<100x16384xi32, #tpu.memory_space<hbm>> -> memref<100x128xi32, #tpu.memory_space<hbm>>
      %dma_wait3A_85 = arith.constant 0 : i32
      %dma_wait3A_86 = tpu.memref_slice %arg3[%dma_wait3A_85, %add3A_78] : memref<100x16384xi32, #tpu.memory_space<hbm>> -> memref<100x128xi32, #tpu.memory_space<hbm>>
      tpu.wait_dma2 semaphore(%arg14 : memref<!tpu.dma_semaphore, #tpu.memory_space<semaphore_mem>>) src(%dma_wait3A_86 : memref<100x128xi32, #tpu.memory_space<hbm>>) dst(%arg10 : memref<100x128xi32, #tpu.memory_space<vmem>>)
      %ge3A_87 = arith.constant 2 : i32
      %ge3A_88 = arith.cmpi sge, %add3A_75, %ge3A_87 : i32
      %convert_element_type3A_89 = arith.extui %ge3A_88 : i1 to i32
      %cond3A_90 = arith.constant 0 : i32
      %cond3A_91 = arith.cmpi ne, %convert_element_type3A_89, %cond3A_90 : i32
      scf.if %cond3A_91 {
        %sub3A = arith.constant 256 : i32
        %sub3A_107 = arith.subi %add3A_78, %sub3A : i32
        %dma_wait3A_108 = arith.constant 0 : i32
        %dma_wait3A_109 = tpu.memref_slice %arg5[%dma_wait3A_108, %sub3A_107] : memref<100x16384xf32, #tpu.memory_space<hbm>> -> memref<100x128xf32, #tpu.memory_space<hbm>>
        %dma_wait3A_110 = arith.constant 0 : i32
        %dma_wait3A_111 = tpu.memref_slice %arg5[%dma_wait3A_110, %sub3A_107] : memref<100x16384xf32, #tpu.memory_space<hbm>> -> memref<100x128xf32, #tpu.memory_space<hbm>>
        tpu.wait_dma2 semaphore(%arg16 : memref<!tpu.dma_semaphore, #tpu.memory_space<semaphore_mem>>) src(%arg12 : memref<100x128xf32, #tpu.memory_space<vmem>>) dst(%dma_wait3A_111 : memref<100x128xf32, #tpu.memory_space<hbm>>)
      } else {
      }
      %parallel_loop3A_92 = arith.constant 0 : i32
      %parallel_loop3A_93 = arith.constant 100 : i32
      %parallel_loop3A_94 = arith.constant 1 : i32
      scf.for %parallel_loop3A_107 = %parallel_loop3A_92 to %parallel_loop3A_93 step %parallel_loop3A_94  : i32 {
        %parallel_loop3A_108 = arith.index_cast %parallel_loop3A_107 : i32 to index
        %parallel_loop3A_109 = arith.constant 0 : index
        %parallel_loop3A_110 = tpu.vector_load %arg8[%parallel_loop3A_108, %parallel_loop3A_109] {strides = array<i32>} : memref<100x128xi32, #tpu.memory_space<vmem>>, vector<1x16xi32>,
        %parallel_loop3A_111 = vector.shape_cast %parallel_loop3A_110 : vector<1x16xi32> to vector<16xi32>
        %parallel_loop3A_112 = arith.constant 4 : i32
        %parallel_loop3A_113 = vector.broadcast %parallel_loop3A_112 : i32 to vector<16xi32>
        %parallel_loop3A_114 = arith.muli %parallel_loop3A_111, %parallel_loop3A_113 : vector<16xi32>
        %parallel_loop3A_115 = arith.index_cast %parallel_loop3A_107 : i32 to index
        %parallel_loop3A_116 = arith.constant 0 : index
        %parallel_loop3A_117 = tpu.vector_load %arg10[%parallel_loop3A_115, %parallel_loop3A_116] {strides = array<i32>} : memref<100x128xi32, #tpu.memory_space<vmem>>, vector<1x16xi32>,
        %parallel_loop3A_118 = vector.shape_cast %parallel_loop3A_117 : vector<1x16xi32> to vector<16xi32>
        %parallel_loop3A_119 = arith.addi %parallel_loop3A_114, %parallel_loop3A_118 : vector<16xi32>
        %parallel_loop3A_120 = arith.constant 0 : i32
        %parallel_loop3A_121 = vector.broadcast %parallel_loop3A_120 : i32 to vector<16xi32>
        %parallel_loop3A_122 = arith.cmpi slt, %parallel_loop3A_119, %parallel_loop3A_121 : vector<16xi32>
        %parallel_loop3A_123 = arith.constant 16 : i32
        %parallel_loop3A_124 = vector.broadcast %parallel_loop3A_123 : i32 to vector<16xi32>
        %parallel_loop3A_125 = arith.addi %parallel_loop3A_119, %parallel_loop3A_124 : vector<16xi32>
        %parallel_loop3A_126 = arith.select %parallel_loop3A_122, %parallel_loop3A_125, %parallel_loop3A_119 : vector<16xi1>, vector<16xi32>
        %parallel_loop3A_127 = vector.shape_cast %parallel_loop3A_126 : vector<16xi32> to vector<16x1xi32>
        %parallel_loop3A_128 = vector.shape_cast %parallel_loop3A_127 : vector<16x1xi32> to vector<16xi32>
        %parallel_loop3A_129 = tpu.dynamic_gather %get3A_23[%parallel_loop3A_128] in [0] : vector<16xf32>, vector<16xi32> -> vector<16xf32>
        %parallel_loop3A_130 = arith.index_cast %parallel_loop3A_107 : i32 to index
        %parallel_loop3A_131 = arith.constant 0 : index
        %parallel_loop3A_132 = tpu.vector_load %arg12[%parallel_loop3A_130, %parallel_loop3A_131] {strides = array<i32>} : memref<100x128xf32, #tpu.memory_space<vmem>>, vector<1x16xf32>,
        %parallel_loop3A_133 = vector.shape_cast %parallel_loop3A_132 : vector<1x16xf32> to vector<16xf32>
        %parallel_loop3A_134 = vector.shape_cast %parallel_loop3A_129 : vector<16xf32> to vector<1x16xf32>
        tpu.vector_store %arg12[%parallel_loop3A_130, %parallel_loop3A_131], %parallel_loop3A_134 {strides = array<i32>} : memref<100x128xf32, #tpu.memory_space<vmem>>, vector<1x16xf32>,
        %parallel_loop3A_135 = arith.index_cast %parallel_loop3A_107 : i32 to index
        %parallel_loop3A_136 = arith.constant 16 : index
        %parallel_loop3A_137 = tpu.vector_load %arg8[%parallel_loop3A_135, %parallel_loop3A_136] {strides = array<i32>} : memref<100x128xi32, #tpu.memory_space<vmem>>, vector<1x16xi32>,
        %parallel_loop3A_138 = vector.shape_cast %parallel_loop3A_137 : vector<1x16xi32> to vector<16xi32>
        %parallel_loop3A_139 = arith.constant 4 : i32
        %parallel_loop3A_140 = vector.broadcast %parallel_loop3A_139 : i32 to vector<16xi32>
        %parallel_loop3A_141 = arith.muli %parallel_loop3A_138, %parallel_loop3A_140 : vector<16xi32>
        %parallel_loop3A_142 = arith.index_cast %parallel_loop3A_107 : i32 to index
        %parallel_loop3A_143 = arith.constant 16 : index
        %parallel_loop3A_144 = tpu.vector_load %arg10[%parallel_loop3A_142, %parallel_loop3A_143] {strides = array<i32>} : memref<100x128xi32, #tpu.memory_space<vmem>>, vector<1x16xi32>,
        %parallel_loop3A_145 = vector.shape_cast %parallel_loop3A_144 : vector<1x16xi32> to vector<16xi32>
        %parallel_loop3A_146 = arith.addi %parallel_loop3A_141, %parallel_loop3A_145 : vector<16xi32>
        %parallel_loop3A_147 = arith.constant 0 : i32
        %parallel_loop3A_148 = vector.broadcast %parallel_loop3A_147 : i32 to vector<16xi32>
        %parallel_loop3A_149 = arith.cmpi slt, %parallel_loop3A_146, %parallel_loop3A_148 : vector<16xi32>
        %parallel_loop3A_150 = arith.constant 16 : i32
        %parallel_loop3A_151 = vector.broadcast %parallel_loop3A_150 : i32 to vector<16xi32>
        %parallel_loop3A_152 = arith.addi %parallel_loop3A_146, %parallel_loop3A_151 : vector<16xi32>
        %parallel_loop3A_153 = arith.select %parallel_loop3A_149, %parallel_loop3A_152, %parallel_loop3A_146 : vector<16xi1>, vector<16xi32>
        %parallel_loop3A_154 = vector.shape_cast %parallel_loop3A_153 : vector<16xi32> to vector<16x1xi32>
        %parallel_loop3A_155 = vector.shape_cast %parallel_loop3A_154 : vector<16x1xi32> to vector<16xi32>
        %parallel_loop3A_156 = tpu.dynamic_gather %get3A_23[%parallel_loop3A_155] in [0] : vector<16xf32>, vector<16xi32> -> vector<16xf32>
        %parallel_loop3A_157 = arith.index_cast %parallel_loop3A_107 : i32 to index
        %parallel_loop3A_158 = arith.constant 16 : index
        %parallel_loop3A_159 = tpu.vector_load %arg12[%parallel_loop3A_157, %parallel_loop3A_158] {strides = array<i32>} : memref<100x128xf32, #tpu.memory_space<vmem>>, vector<1x16xf32>,
        %parallel_loop3A_160 = vector.shape_cast %parallel_loop3A_159 : vector<1x16xf32> to vector<16xf32>
        %parallel_loop3A_161 = vector.shape_cast %parallel_loop3A_156 : vector<16xf32> to vector<1x16xf32>
        tpu.vector_store %arg12[%parallel_loop3A_157, %parallel_loop3A_158], %parallel_loop3A_161 {strides = array<i32>} : memref<100x128xf32, #tpu.memory_space<vmem>>, vector<1x16xf32>,
        %parallel_loop3A_162 = arith.index_cast %parallel_loop3A_107 : i32 to index
        %parallel_loop3A_163 = arith.constant 32 : index
        %parallel_loop3A_164 = tpu.vector_load %arg8[%parallel_loop3A_162, %parallel_loop3A_163] {strides = array<i32>} : memref<100x128xi32, #tpu.memory_space<vmem>>, vector<1x16xi32>,
        %parallel_loop3A_165 = vector.shape_cast %parallel_loop3A_164 : vector<1x16xi32> to vector<16xi32>
        %parallel_loop3A_166 = arith.constant 4 : i32
        %parallel_loop3A_167 = vector.broadcast %parallel_loop3A_166 : i32 to vector<16xi32>
        %parallel_loop3A_168 = arith.muli %parallel_loop3A_165, %parallel_loop3A_167 : vector<16xi32>
        %parallel_loop3A_169 = arith.index_cast %parallel_loop3A_107 : i32 to index
        %parallel_loop3A_170 = arith.constant 32 : index
        %parallel_loop3A_171 = tpu.vector_load %arg10[%parallel_loop3A_169, %parallel_loop3A_170] {strides = array<i32>} : memref<100x128xi32, #tpu.memory_space<vmem>>, vector<1x16xi32>,
        %parallel_loop3A_172 = vector.shape_cast %parallel_loop3A_171 : vector<1x16xi32> to vector<16xi32>
        %parallel_loop3A_173 = arith.addi %parallel_loop3A_168, %parallel_loop3A_172 : vector<16xi32>
        %parallel_loop3A_174 = arith.constant 0 : i32
        %parallel_loop3A_175 = vector.broadcast %parallel_loop3A_174 : i32 to vector<16xi32>
        %parallel_loop3A_176 = arith.cmpi slt, %parallel_loop3A_173, %parallel_loop3A_175 : vector<16xi32>
        %parallel_loop3A_177 = arith.constant 16 : i32
        %parallel_loop3A_178 = vector.broadcast %parallel_loop3A_177 : i32 to vector<16xi32>
        %parallel_loop3A_179 = arith.addi %parallel_loop3A_173, %parallel_loop3A_178 : vector<16xi32>
        %parallel_loop3A_180 = arith.select %parallel_loop3A_176, %parallel_loop3A_179, %parallel_loop3A_173 : vector<16xi1>, vector<16xi32>
        %parallel_loop3A_181 = vector.shape_cast %parallel_loop3A_180 : vector<16xi32> to vector<16x1xi32>
        %parallel_loop3A_182 = vector.shape_cast %parallel_loop3A_181 : vector<16x1xi32> to vector<16xi32>
        %parallel_loop3A_183 = tpu.dynamic_gather %get3A_23[%parallel_loop3A_182] in [0] : vector<16xf32>, vector<16xi32> -> vector<16xf32>
        %parallel_loop3A_184 = arith.index_cast %parallel_loop3A_107 : i32 to index
        %parallel_loop3A_185 = arith.constant 32 : index
        %parallel_loop3A_186 = tpu.vector_load %arg12[%parallel_loop3A_184, %parallel_loop3A_185] {strides = array<i32>} : memref<100x128xf32, #tpu.memory_space<vmem>>, vector<1x16xf32>,
        %parallel_loop3A_187 = vector.shape_cast %parallel_loop3A_186 : vector<1x16xf32> to vector<16xf32>
        %parallel_loop3A_188 = vector.shape_cast %parallel_loop3A_183 : vector<16xf32> to vector<1x16xf32>
        tpu.vector_store %arg12[%parallel_loop3A_184, %parallel_loop3A_185], %parallel_loop3A_188 {strides = array<i32>} : memref<100x128xf32, #tpu.memory_space<vmem>>, vector<1x16xf32>,
        %parallel_loop3A_189 = arith.index_cast %parallel_loop3A_107 : i32 to index
        %parallel_loop3A_190 = arith.constant 48 : index
        %parallel_loop3A_191 = tpu.vector_load %arg8[%parallel_loop3A_189, %parallel_loop3A_190] {strides = array<i32>} : memref<100x128xi32, #tpu.memory_space<vmem>>, vector<1x16xi32>,
        %parallel_loop3A_192 = vector.shape_cast %parallel_loop3A_191 : vector<1x16xi32> to vector<16xi32>
        %parallel_loop3A_193 = arith.constant 4 : i32
        %parallel_loop3A_194 = vector.broadcast %parallel_loop3A_193 : i32 to vector<16xi32>
        %parallel_loop3A_195 = arith.muli %parallel_loop3A_192, %parallel_loop3A_194 : vector<16xi32>
        %parallel_loop3A_196 = arith.index_cast %parallel_loop3A_107 : i32 to index
        %parallel_loop3A_197 = arith.constant 48 : index
        %parallel_loop3A_198 = tpu.vector_load %arg10[%parallel_loop3A_196, %parallel_loop3A_197] {strides = array<i32>} : memref<100x128xi32, #tpu.memory_space<vmem>>, vector<1x16xi32>,
        %parallel_loop3A_199 = vector.shape_cast %parallel_loop3A_198 : vector<1x16xi32> to vector<16xi32>
        %parallel_loop3A_200 = arith.addi %parallel_loop3A_195, %parallel_loop3A_199 : vector<16xi32>
        %parallel_loop3A_201 = arith.constant 0 : i32
        %parallel_loop3A_202 = vector.broadcast %parallel_loop3A_201 : i32 to vector<16xi32>
        %parallel_loop3A_203 = arith.cmpi slt, %parallel_loop3A_200, %parallel_loop3A_202 : vector<16xi32>
        %parallel_loop3A_204 = arith.constant 16 : i32
        %parallel_loop3A_205 = vector.broadcast %parallel_loop3A_204 : i32 to vector<16xi32>
        %parallel_loop3A_206 = arith.addi %parallel_loop3A_200, %parallel_loop3A_205 : vector<16xi32>
        %parallel_loop3A_207 = arith.select %parallel_loop3A_203, %parallel_loop3A_206, %parallel_loop3A_200 : vector<16xi1>, vector<16xi32>
        %parallel_loop3A_208 = vector.shape_cast %parallel_loop3A_207 : vector<16xi32> to vector<16x1xi32>
        %parallel_loop3A_209 = vector.shape_cast %parallel_loop3A_208 : vector<16x1xi32> to vector<16xi32>
        %parallel_loop3A_210 = tpu.dynamic_gather %get3A_23[%parallel_loop3A_209] in [0] : vector<16xf32>, vector<16xi32> -> vector<16xf32>
        %parallel_loop3A_211 = arith.index_cast %parallel_loop3A_107 : i32 to index
        %parallel_loop3A_212 = arith.constant 48 : index
        %parallel_loop3A_213 = tpu.vector_load %arg12[%parallel_loop3A_211, %parallel_loop3A_212] {strides = array<i32>} : memref<100x128xf32, #tpu.memory_space<vmem>>, vector<1x16xf32>,
        %parallel_loop3A_214 = vector.shape_cast %parallel_loop3A_213 : vector<1x16xf32> to vector<16xf32>
        %parallel_loop3A_215 = vector.shape_cast %parallel_loop3A_210 : vector<16xf32> to vector<1x16xf32>
        tpu.vector_store %arg12[%parallel_loop3A_211, %parallel_loop3A_212], %parallel_loop3A_215 {strides = array<i32>} : memref<100x128xf32, #tpu.memory_space<vmem>>, vector<1x16xf32>,
        %parallel_loop3A_216 = arith.index_cast %parallel_loop3A_107 : i32 to index
        %parallel_loop3A_217 = arith.constant 64 : index
        %parallel_loop3A_218 = tpu.vector_load %arg8[%parallel_loop3A_216, %parallel_loop3A_217] {strides = array<i32>} : memref<100x128xi32, #tpu.memory_space<vmem>>, vector<1x16xi32>,
        %parallel_loop3A_219 = vector.shape_cast %parallel_loop3A_218 : vector<1x16xi32> to vector<16xi32>
        %parallel_loop3A_220 = arith.constant 4 : i32
        %parallel_loop3A_221 = vector.broadcast %parallel_loop3A_220 : i32 to vector<16xi32>
        %parallel_loop3A_222 = arith.muli %parallel_loop3A_219, %parallel_loop3A_221 : vector<16xi32>
        %parallel_loop3A_223 = arith.index_cast %parallel_loop3A_107 : i32 to index
        %parallel_loop3A_224 = arith.constant 64 : index
        %parallel_loop3A_225 = tpu.vector_load %arg10[%parallel_loop3A_223, %parallel_loop3A_224] {strides = array<i32>} : memref<100x128xi32, #tpu.memory_space<vmem>>, vector<1x16xi32>,
        %parallel_loop3A_226 = vector.shape_cast %parallel_loop3A_225 : vector<1x16xi32> to vector<16xi32>
        %parallel_loop3A_227 = arith.addi %parallel_loop3A_222, %parallel_loop3A_226 : vector<16xi32>
        %parallel_loop3A_228 = arith.constant 0 : i32
        %parallel_loop3A_229 = vector.broadcast %parallel_loop3A_228 : i32 to vector<16xi32>
        %parallel_loop3A_230 = arith.cmpi slt, %parallel_loop3A_227, %parallel_loop3A_229 : vector<16xi32>
        %parallel_loop3A_231 = arith.constant 16 : i32
        %parallel_loop3A_232 = vector.broadcast %parallel_loop3A_231 : i32 to vector<16xi32>
        %parallel_loop3A_233 = arith.addi %parallel_loop3A_227, %parallel_loop3A_232 : vector<16xi32>
        %parallel_loop3A_234 = arith.select %parallel_loop3A_230, %parallel_loop3A_233, %parallel_loop3A_227 : vector<16xi1>, vector<16xi32>
        %parallel_loop3A_235 = vector.shape_cast %parallel_loop3A_234 : vector<16xi32> to vector<16x1xi32>
        %parallel_loop3A_236 = vector.shape_cast %parallel_loop3A_235 : vector<16x1xi32> to vector<16xi32>
        %parallel_loop3A_237 = tpu.dynamic_gather %get3A_23[%parallel_loop3A_236] in [0] : vector<16xf32>, vector<16xi32> -> vector<16xf32>
        %parallel_loop3A_238 = arith.index_cast %parallel_loop3A_107 : i32 to index
        %parallel_loop3A_239 = arith.constant 64 : index
        %parallel_loop3A_240 = tpu.vector_load %arg12[%parallel_loop3A_238, %parallel_loop3A_239] {strides = array<i32>} : memref<100x128xf32, #tpu.memory_space<vmem>>, vector<1x16xf32>,
        %parallel_loop3A_241 = vector.shape_cast %parallel_loop3A_240 : vector<1x16xf32> to vector<16xf32>
        %parallel_loop3A_242 = vector.shape_cast %parallel_loop3A_237 : vector<16xf32> to vector<1x16xf32>
        tpu.vector_store %arg12[%parallel_loop3A_238, %parallel_loop3A_239], %parallel_loop3A_242 {strides = array<i32>} : memref<100x128xf32, #tpu.memory_space<vmem>>, vector<1x16xf32>,
        %parallel_loop3A_243 = arith.index_cast %parallel_loop3A_107 : i32 to index
        %parallel_loop3A_244 = arith.constant 80 : index
        %parallel_loop3A_245 = tpu.vector_load %arg8[%parallel_loop3A_243, %parallel_loop3A_244] {strides = array<i32>} : memref<100x128xi32, #tpu.memory_space<vmem>>, vector<1x16xi32>,
        %parallel_loop3A_246 = vector.shape_cast %parallel_loop3A_245 : vector<1x16xi32> to vector<16xi32>
        %parallel_loop3A_247 = arith.constant 4 : i32
        %parallel_loop3A_248 = vector.broadcast %parallel_loop3A_247 : i32 to vector<16xi32>
        %parallel_loop3A_249 = arith.muli %parallel_loop3A_246, %parallel_loop3A_248 : vector<16xi32>
        %parallel_loop3A_250 = arith.index_cast %parallel_loop3A_107 : i32 to index
        %parallel_loop3A_251 = arith.constant 80 : index
        %parallel_loop3A_252 = tpu.vector_load %arg10[%parallel_loop3A_250, %parallel_loop3A_251] {strides = array<i32>} : memref<100x128xi32, #tpu.memory_space<vmem>>, vector<1x16xi32>,
        %parallel_loop3A_253 = vector.shape_cast %parallel_loop3A_252 : vector<1x16xi32> to vector<16xi32>
        %parallel_loop3A_254 = arith.addi %parallel_loop3A_249, %parallel_loop3A_253 : vector<16xi32>
        %parallel_loop3A_255 = arith.constant 0 : i32
        %parallel_loop3A_256 = vector.broadcast %parallel_loop3A_255 : i32 to vector<16xi32>
        %parallel_loop3A_257 = arith.cmpi slt, %parallel_loop3A_254, %parallel_loop3A_256 : vector<16xi32>
        %parallel_loop3A_258 = arith.constant 16 : i32
        %parallel_loop3A_259 = vector.broadcast %parallel_loop3A_258 : i32 to vector<16xi32>
        %parallel_loop3A_260 = arith.addi %parallel_loop3A_254, %parallel_loop3A_259 : vector<16xi32>
        %parallel_loop3A_261 = arith.select %parallel_loop3A_257, %parallel_loop3A_260, %parallel_loop3A_254 : vector<16xi1>, vector<16xi32>
        %parallel_loop3A_262 = vector.shape_cast %parallel_loop3A_261 : vector<16xi32> to vector<16x1xi32>
        %parallel_loop3A_263 = vector.shape_cast %parallel_loop3A_262 : vector<16x1xi32> to vector<16xi32>
        %parallel_loop3A_264 = tpu.dynamic_gather %get3A_23[%parallel_loop3A_263] in [0] : vector<16xf32>, vector<16xi32> -> vector<16xf32>
        %parallel_loop3A_265 = arith.index_cast %parallel_loop3A_107 : i32 to index
        %parallel_loop3A_266 = arith.constant 80 : index
        %parallel_loop3A_267 = tpu.vector_load %arg12[%parallel_loop3A_265, %parallel_loop3A_266] {strides = array<i32>} : memref<100x128xf32, #tpu.memory_space<vmem>>, vector<1x16xf32>,
        %parallel_loop3A_268 = vector.shape_cast %parallel_loop3A_267 : vector<1x16xf32> to vector<16xf32>
        %parallel_loop3A_269 = vector.shape_cast %parallel_loop3A_264 : vector<16xf32> to vector<1x16xf32>
        tpu.vector_store %arg12[%parallel_loop3A_265, %parallel_loop3A_266], %parallel_loop3A_269 {strides = array<i32>} : memref<100x128xf32, #tpu.memory_space<vmem>>, vector<1x16xf32>,
        %parallel_loop3A_270 = arith.index_cast %parallel_loop3A_107 : i32 to index
        %parallel_loop3A_271 = arith.constant 96 : index
        %parallel_loop3A_272 = tpu.vector_load %arg8[%parallel_loop3A_270, %parallel_loop3A_271] {strides = array<i32>} : memref<100x128xi32, #tpu.memory_space<vmem>>, vector<1x16xi32>,
        %parallel_loop3A_273 = vector.shape_cast %parallel_loop3A_272 : vector<1x16xi32> to vector<16xi32>
        %parallel_loop3A_274 = arith.constant 4 : i32
        %parallel_loop3A_275 = vector.broadcast %parallel_loop3A_274 : i32 to vector<16xi32>
        %parallel_loop3A_276 = arith.muli %parallel_loop3A_273, %parallel_loop3A_275 : vector<16xi32>
        %parallel_loop3A_277 = arith.index_cast %parallel_loop3A_107 : i32 to index
        %parallel_loop3A_278 = arith.constant 96 : index
        %parallel_loop3A_279 = tpu.vector_load %arg10[%parallel_loop3A_277, %parallel_loop3A_278] {strides = array<i32>} : memref<100x128xi32, #tpu.memory_space<vmem>>, vector<1x16xi32>,
        %parallel_loop3A_280 = vector.shape_cast %parallel_loop3A_279 : vector<1x16xi32> to vector<16xi32>
        %parallel_loop3A_281 = arith.addi %parallel_loop3A_276, %parallel_loop3A_280 : vector<16xi32>
        %parallel_loop3A_282 = arith.constant 0 : i32
        %parallel_loop3A_283 = vector.broadcast %parallel_loop3A_282 : i32 to vector<16xi32>
        %parallel_loop3A_284 = arith.cmpi slt, %parallel_loop3A_281, %parallel_loop3A_283 : vector<16xi32>
        %parallel_loop3A_285 = arith.constant 16 : i32
        %parallel_loop3A_286 = vector.broadcast %parallel_loop3A_285 : i32 to vector<16xi32>
        %parallel_loop3A_287 = arith.addi %parallel_loop3A_281, %parallel_loop3A_286 : vector<16xi32>
        %parallel_loop3A_288 = arith.select %parallel_loop3A_284, %parallel_loop3A_287, %parallel_loop3A_281 : vector<16xi1>, vector<16xi32>
        %parallel_loop3A_289 = vector.shape_cast %parallel_loop3A_288 : vector<16xi32> to vector<16x1xi32>
        %parallel_loop3A_290 = vector.shape_cast %parallel_loop3A_289 : vector<16x1xi32> to vector<16xi32>
        %parallel_loop3A_291 = tpu.dynamic_gather %get3A_23[%parallel_loop3A_290] in [0] : vector<16xf32>, vector<16xi32> -> vector<16xf32>
        %parallel_loop3A_292 = arith.index_cast %parallel_loop3A_107 : i32 to index
        %parallel_loop3A_293 = arith.constant 96 : index
        %parallel_loop3A_294 = tpu.vector_load %arg12[%parallel_loop3A_292, %parallel_loop3A_293] {strides = array<i32>} : memref<100x128xf32, #tpu.memory_space<vmem>>, vector<1x16xf32>,
        %parallel_loop3A_295 = vector.shape_cast %parallel_loop3A_294 : vector<1x16xf32> to vector<16xf32>
        %parallel_loop3A_296 = vector.shape_cast %parallel_loop3A_291 : vector<16xf32> to vector<1x16xf32>
        tpu.vector_store %arg12[%parallel_loop3A_292, %parallel_loop3A_293], %parallel_loop3A_296 {strides = array<i32>} : memref<100x128xf32, #tpu.memory_space<vmem>>, vector<1x16xf32>,
        %parallel_loop3A_297 = arith.index_cast %parallel_loop3A_107 : i32 to index
        %parallel_loop3A_298 = arith.constant 112 : index
        %parallel_loop3A_299 = tpu.vector_load %arg8[%parallel_loop3A_297, %parallel_loop3A_298] {strides = array<i32>} : memref<100x128xi32, #tpu.memory_space<vmem>>, vector<1x16xi32>,
        %parallel_loop3A_300 = vector.shape_cast %parallel_loop3A_299 : vector<1x16xi32> to vector<16xi32>
        %parallel_loop3A_301 = arith.constant 4 : i32
        %parallel_loop3A_302 = vector.broadcast %parallel_loop3A_301 : i32 to vector<16xi32>
        %parallel_loop3A_303 = arith.muli %parallel_loop3A_300, %parallel_loop3A_302 : vector<16xi32>
        %parallel_loop3A_304 = arith.index_cast %parallel_loop3A_107 : i32 to index
        %parallel_loop3A_305 = arith.constant 112 : index
        %parallel_loop3A_306 = tpu.vector_load %arg10[%parallel_loop3A_304, %parallel_loop3A_305] {strides = array<i32>} : memref<100x128xi32, #tpu.memory_space<vmem>>, vector<1x16xi32>,
        %parallel_loop3A_307 = vector.shape_cast %parallel_loop3A_306 : vector<1x16xi32> to vector<16xi32>
        %parallel_loop3A_308 = arith.addi %parallel_loop3A_303, %parallel_loop3A_307 : vector<16xi32>
        %parallel_loop3A_309 = arith.constant 0 : i32
        %parallel_loop3A_310 = vector.broadcast %parallel_loop3A_309 : i32 to vector<16xi32>
        %parallel_loop3A_311 = arith.cmpi slt, %parallel_loop3A_308, %parallel_loop3A_310 : vector<16xi32>
        %parallel_loop3A_312 = arith.constant 16 : i32
        %parallel_loop3A_313 = vector.broadcast %parallel_loop3A_312 : i32 to vector<16xi32>
        %parallel_loop3A_314 = arith.addi %parallel_loop3A_308, %parallel_loop3A_313 : vector<16xi32>
        %parallel_loop3A_315 = arith.select %parallel_loop3A_311, %parallel_loop3A_314, %parallel_loop3A_308 : vector<16xi1>, vector<16xi32>
        %parallel_loop3A_316 = vector.shape_cast %parallel_loop3A_315 : vector<16xi32> to vector<16x1xi32>
        %parallel_loop3A_317 = vector.shape_cast %parallel_loop3A_316 : vector<16x1xi32> to vector<16xi32>
        %parallel_loop3A_318 = tpu.dynamic_gather %get3A_23[%parallel_loop3A_317] in [0] : vector<16xf32>, vector<16xi32> -> vector<16xf32>
        %parallel_loop3A_319 = arith.index_cast %parallel_loop3A_107 : i32 to index
        %parallel_loop3A_320 = arith.constant 112 : index
        %parallel_loop3A_321 = tpu.vector_load %arg12[%parallel_loop3A_319, %parallel_loop3A_320] {strides = array<i32>} : memref<100x128xf32, #tpu.memory_space<vmem>>, vector<1x16xf32>,
        %parallel_loop3A_322 = vector.shape_cast %parallel_loop3A_321 : vector<1x16xf32> to vector<16xf32>
        %parallel_loop3A_323 = vector.shape_cast %parallel_loop3A_318 : vector<16xf32> to vector<1x16xf32>
        tpu.vector_store %arg12[%parallel_loop3A_319, %parallel_loop3A_320], %parallel_loop3A_323 {strides = array<i32>} : memref<100x128xf32, #tpu.memory_space<vmem>>, vector<1x16xf32>,
      } {sc.loop_unroll_factor = 2 : i64, sc.parallel_access}
      %dma_start3A_95 = arith.constant 0 : i32
      %dma_start3A_96 = tpu.memref_slice %arg5[%dma_start3A_95, %add3A_78] : memref<100x16384xf32, #tpu.memory_space<hbm>> -> memref<100x128xf32, #tpu.memory_space<hbm>>
      %dma_start3A_97 = arith.constant 0 : i32
      %dma_start3A_98 = tpu.memref_slice %arg5[%dma_start3A_97, %add3A_78] : memref<100x16384xf32, #tpu.memory_space<hbm>> -> memref<100x128xf32, #tpu.memory_space<hbm>>
      tpu.enqueue_dma source(%arg12 : memref<100x128xf32, #tpu.memory_space<vmem>>) target(%dma_start3A_98 : memref<100x128xf32, #tpu.memory_space<hbm>>) target_semaphore(%arg16 : memref<!tpu.dma_semaphore, #tpu.memory_space<semaphore_mem>>)
      %add3A_99 = arith.constant 2 : i32
      %add3A_100 = arith.addi %add3A_75, %add3A_99 : i32
      %lt3A_101 = arith.constant 4 : i32
      %lt3A_102 = arith.cmpi slt, %add3A_100, %lt3A_101 : i32
      %convert_element_type3A_103 = arith.extui %lt3A_102 : i1 to i32
      %cond3A_104 = arith.constant 0 : i32
      %cond3A_105 = arith.cmpi ne, %convert_element_type3A_103, %cond3A_104 : i32
      scf.if %cond3A_105 {
        %add3A_107 = arith.constant 256 : i32
        %add3A_108 = arith.addi %add3A_78, %add3A_107 : i32
        %dma_start3A_109 = arith.constant 0 : i32
        %dma_start3A_110 = tpu.memref_slice %arg2[%dma_start3A_109, %add3A_108] : memref<100x16384xi32, #tpu.memory_space<hbm>> -> memref<100x128xi32, #tpu.memory_space<hbm>>
        %dma_start3A_111 = arith.constant 0 : i32
        %dma_start3A_112 = tpu.memref_slice %arg2[%dma_start3A_111, %add3A_108] : memref<100x16384xi32, #tpu.memory_space<hbm>> -> memref<100x128xi32, #tpu.memory_space<hbm>>
        tpu.enqueue_dma source(%dma_start3A_112 : memref<100x128xi32, #tpu.memory_space<hbm>>) target(%arg8 : memref<100x128xi32, #tpu.memory_space<vmem>>) target_semaphore(%arg14 : memref<!tpu.dma_semaphore, #tpu.memory_space<semaphore_mem>>)
        %dma_start3A_113 = arith.constant 0 : i32
        %dma_start3A_114 = tpu.memref_slice %arg3[%dma_start3A_113, %add3A_108] : memref<100x16384xi32, #tpu.memory_space<hbm>> -> memref<100x128xi32, #tpu.memory_space<hbm>>
        %dma_start3A_115 = arith.constant 0 : i32
        %dma_start3A_116 = tpu.memref_slice %arg3[%dma_start3A_115, %add3A_108] : memref<100x16384xi32, #tpu.memory_space<hbm>> -> memref<100x128xi32, #tpu.memory_space<hbm>>
        tpu.enqueue_dma source(%dma_start3A_116 : memref<100x128xi32, #tpu.memory_space<hbm>>) target(%arg10 : memref<100x128xi32, #tpu.memory_space<vmem>>) target_semaphore(%arg14 : memref<!tpu.dma_semaphore, #tpu.memory_space<semaphore_mem>>)
      } else {
      }
      %scan3A_106 = arith.constant 0 : i32
      scf.yield %scan3A_106 : i32
    }
    %scan3A_29 = arith.constant 2 : i32
    %add3A_30 = arith.constant 256 : i32
    %add3A_31 = arith.addi %mul3A_2, %add3A_30 : i32
    %dma_wait3A = arith.constant 0 : i32
    %dma_wait3A_32 = tpu.memref_slice %arg5[%dma_wait3A, %add3A_31] : memref<100x16384xf32, #tpu.memory_space<hbm>> -> memref<100x128xf32, #tpu.memory_space<hbm>>
    %dma_wait3A_33 = arith.constant 0 : i32
    %dma_wait3A_34 = tpu.memref_slice %arg5[%dma_wait3A_33, %add3A_31] : memref<100x16384xf32, #tpu.memory_space<hbm>> -> memref<100x128xf32, #tpu.memory_space<hbm>>
    tpu.wait_dma2 semaphore(%arg15 : memref<!tpu.dma_semaphore, #tpu.memory_space<semaphore_mem>>) src(%arg11 : memref<100x128xf32, #tpu.memory_space<vmem>>) dst(%dma_wait3A_34 : memref<100x128xf32, #tpu.memory_space<hbm>>)
    %add3A_35 = arith.constant 384 : i32
    %add3A_36 = arith.addi %mul3A_2, %add3A_35 : i32
    %dma_wait3A_37 = arith.constant 0 : i32
    %dma_wait3A_38 = tpu.memref_slice %arg5[%dma_wait3A_37, %add3A_36] : memref<100x16384xf32, #tpu.memory_space<hbm>> -> memref<100x128xf32, #tpu.memory_space<hbm>>
    %dma_wait3A_39 = arith.constant 0 : i32
    %dma_wait3A_40 = tpu.memref_slice %arg5[%dma_wait3A_39, %add3A_36] : memref<100x16384xf32, #tpu.memory_space<hbm>> -> memref<100x128xf32, #tpu.memory_space<hbm>>
    tpu.wait_dma2 semaphore(%arg16 : memref<!tpu.dma_semaphore, #tpu.memory_space<semaphore_mem>>) src(%arg12 : memref<100x128xf32, #tpu.memory_space<vmem>>) dst(%dma_wait3A_40 : memref<100x128xf32, #tpu.memory_space<hbm>>)
    return
  }
}

</mosaic_0001>

<sc_bundles>
// kernel: kernel.3.cloned.1.call-start
scs
__scs_entry_jumppad:
0x0: {  	(pc) =	sbr.rel $0x88, $3  }
0x1: {  	(tag) =	ssettag $0x0;
	lr =	simm.s32 $0x1  }
0x2: {  	[smem:$0x3F9E] =	sst lr;
	_ =	strace $0xD0000000  }
0x3: {  	_ = 	snop  }
0x4: {  	_ = 	snop  }
0x5: {  	_ = 	snop  }
0x6: {  	_ = 	snop  }
0x7: {  	_ = 	snop  }
__scs_overlays_trampoline_lowered:
0x8: {  	[smem:$0x3FAD] =	sst s0  }
0x9: {  	[smem:$0x3FAE] =	sst s1  }
0xa: {  	[smem:$0x3FAF] =	sst s2  }
0xb: {  	[smem:$0x3FB0] =	sst s3  }
0xc: {  	[smem:$0x3FB1] =	sst s4  }
0xd: {  	[smem:$0x3FB2] =	sst s5  }
0xe: {  	[smem:$0x3FB3] =	sst s6  }
0xf: {  	[smem:$0x3FB4] =	sst s7  }
0x10: {  	[smem:$0x3FB5] =	sst s8  }
0x11: {  	[smem:$0x3FB6] =	sst s9;
	s0 =	simm.s32 @!p0 $0x0  }
0x12: {  	s1 =	sld [smem:$0x3F9C];
	s0 =	simm.s32 @p0 $0x1  }
0x13: {  	[smem:$0x3FB7] =	sst s0;
	s0 =	simm.s32 @!p1 $0x0  }
0x14: {  	s2 =	sld [smem:$0x3F9B];
	s0 =	simm.s32 @p1 $0x1  }
0x15: {  	[smem:$0x3FB8] =	sst s0;
	s0 =	simm.s32 @!p2 $0x0  }
0x16: {  	s3 =	sld [smem:$0x3FDB];
	s0 =	simm.s32 @p2 $0x1  }
0x17: {  	s4 =	simm.s32 $0x1BF5;
	[smem:$0x3FBA] =	sst s0  }
0x18: {  	s0 =	sld [smem:$0x3F9D];
	_ =	swait.ge [sflag:s4], $0x0  }
0x19: {  	s7 =	sld [smem:$0x3F9E]  }
0x1a: {  	s8 =	sadd.s32 $0xFFFFE003, lr  }
0x1b: {  	s9 =	sadd.s32 $0xFFFFFEF7, lr;
	s5 =	simm.s32 $0xFFFFFFFF;
	p2 =	slt.u32 s8, $0xFFFFF086  }
0x1c: {  	p1 =	slt.u32 s9, $0xF7A;
	s5 =	simm.s32 @!p2 $0x0  }
0x1d: {  	s5 =	simm.s32 @p1 $0x1;
	p0 =	seq.s32 s7, s2  }
0x1e: {  	s7 =	smul.u32 @!p0 $0xF7A, s2;
	p2 =	seq.s32 @!p0 s5, $0x0  }
0x1f: {  	s9 =	smul.u32 $0xF7A, s1;
	s8 =	simm.s32 @!p0 $0x1BF5;
	p2 =	por !p2, p0  }
0x20: {  	[sflag:s8] =	ssyncset.s32 @!p0 $0xFFFFF086;
	s6 =	sadd.s32 @!p0 s3, s7;
	s7 =	simm.s32 @!p0 $0x108  }
0x21: {  	s3 =	sadd.s32 s3, s9;
	s6 =	sadd.s32 @!p0 $0x88, s6;
	s7 =	simm.s32 @p2 $0x1082  }
0x22: {  	[simem:s7], [sflag:s8] =	dma.local @!p0 [hbm:s6], $0xF7A  }
0x23: {  	s9 =	sor.u32 $0xD0000000, s2;
	s6 =	simm.s32 $0x108;
	_ =	swait.ge @!p0 [sflag:s8], $0x0  }
0x24: {  	s3 =	sadd.s32 $0x88, s3;
	s6 =	simm.s32 @!p1 $0x1082;
	[sflag:s4] =	ssyncset.s32 $0xFFFFF086  }
0x25: {  	[simem:s6], [sflag:s4] =	dma.local [hbm:s3], $0xF7A  }
0x26: {  	[smem:$0x3F9E] =	sst s1;
	(tag) =	ssettag s2;
	_ =	strace s9  }
0x27: {  	s1 =	sld [smem:$0x3FAE]  }
0x28: {  	s2 =	sld [smem:$0x3FAF]  }
0x29: {  	s4 =	sld [smem:$0x3FB1]  }
0x2a: {  	p0 =	seq.s32 s5, $0x0;
	s5 =	sld [smem:$0x3FB2]  }
0x2b: {  	s6 =	sld [smem:$0x3FB3]  }
0x2c: {  	s7 =	sld [smem:$0x3FB4]  }
0x2d: {  	s3 =	simm.s32 $0x108;
	s8 =	sld [smem:$0x3FB5]  }
0x2e: {  	s3 =	simm.s32 @!p0 $0x1082;
	s9 =	sld [smem:$0x3FB6]  }
0x2f: {  	lr =	sadd.s32 s0, s3;
	s0 =	sld [smem:$0x3FAD]  }
0x30: {  	s3 =	sld [smem:$0x3FB0]  }
0x31: {  	[smem:$0x3FB9] =	sst s10  }
0x32: {  	s10 =	sld [smem:$0x3FB7];
	_ =	sdelay $0x3  }
0x33: {  	p0 =	seq.s32 s10, $0x1;
	s10 =	sld [smem:$0x3FB9];
	_ =	sdelay $0x3  }
0x34: {  	[smem:$0x3FB9] =	sst s10  }
0x35: {  	s10 =	sld [smem:$0x3FB8];
	_ =	sdelay $0x3  }
0x36: {  	p1 =	seq.s32 s10, $0x1;
	s10 =	sld [smem:$0x3FB9];
	_ =	sdelay $0x3  }
0x37: {  	[smem:$0x3FB9] =	sst s10  }
0x38: {  	s10 =	sld [smem:$0x3FBA]  }
0x39: {  	_ = 	snop;
	(pc) =	sbr.ind lr, $3  }
0x3a: {  	_ = 	snop  }
0x3b: {  	_ = 	snop  }
0x3c: {  	p2 =	seq.s32 s10, $0x1;
	s10 =	sld [smem:$0x3FB9]  }
0x3d: {  	_ =	shalt  }
0x3e: {  	_ =	shalt  }
0x3f: {  	_ =	shalt  }
0x40: {  	_ =	shalt  }
0x41: {  	_ =	shalt  }
0x42: {  	_ =	shalt  }
0x43: {  	_ =	shalt  }
0x44: {  	_ =	shalt  }
0x45: {  	_ =	shalt  }
0x46: {  	_ =	shalt  }
0x47: {  	_ =	shalt  }
0x48: {  	_ =	shalt  }
0x49: {  	_ =	shalt  }
0x4a: {  	_ =	shalt  }
0x4b: {  	_ =	shalt  }
0x4c: {  	_ =	shalt  }
0x4d: {  	_ =	shalt  }
0x4e: {  	_ =	shalt  }
0x4f: {  	_ =	shalt  }
0x50: {  	_ =	shalt  }
0x51: {  	_ =	shalt  }
0x52: {  	_ =	shalt  }
0x53: {  	_ =	shalt  }
0x54: {  	_ =	shalt  }
0x55: {  	_ =	shalt  }
0x56: {  	_ =	shalt  }
0x57: {  	_ =	shalt  }
0x58: {  	_ =	shalt  }
0x59: {  	_ =	shalt  }
0x5a: {  	_ =	shalt  }
0x5b: {  	_ =	shalt  }
0x5c: {  	_ =	shalt  }
0x5d: {  	_ =	shalt  }
0x5e: {  	_ =	shalt  }
0x5f: {  	_ =	shalt  }
0x60: {  	_ =	shalt  }
0x61: {  	_ =	shalt  }
0x62: {  	_ =	shalt  }
0x63: {  	_ =	shalt  }
0x64: {  	_ =	shalt  }
0x65: {  	_ =	shalt  }
0x66: {  	_ =	shalt  }
0x67: {  	_ =	shalt  }
0x68: {  	_ =	shalt  }
0x69: {  	_ =	shalt  }
0x6a: {  	_ =	shalt  }
0x6b: {  	_ =	shalt  }
0x6c: {  	_ =	shalt  }
0x6d: {  	_ =	shalt  }
0x6e: {  	_ =	shalt  }
0x6f: {  	_ =	shalt  }
0x70: {  	_ =	shalt  }
0x71: {  	_ =	shalt  }
0x72: {  	_ =	shalt  }
0x73: {  	_ =	shalt  }
0x74: {  	_ =	shalt  }
0x75: {  	_ =	shalt  }
0x76: {  	_ =	shalt  }
0x77: {  	_ =	shalt  }
0x78: {  	_ =	shalt  }
0x79: {  	_ =	shalt  }
0x7a: {  	_ =	shalt  }
0x7b: {  	_ =	shalt  }
0x7c: {  	_ =	shalt  }
0x7d: {  	_ =	shalt  }
0x7e: {  	_ =	shalt  }
0x7f: {  	_ =	shalt  }
0x80: {  	_ =	shalt  }
0x81: {  	_ =	shalt  }
0x82: {  	_ =	shalt  }
0x83: {  	_ =	shalt  }
0x84: {  	_ =	shalt  }
0x85: {  	_ =	shalt  }
0x86: {  	_ =	shalt  }
0x87: {  	_ =	shalt  }
.Lfunc_end0:
.L_simem_size_0:
called_computation_lowered:
.L_overlay_start_0:
0x88: {  	s2 =	sld [smem:$0x3FD9]  }
0x89: {  	s3 =	sld [smem:$0x3FFE];
	_ =	sdelay $0x1  }
0x8a: {  	s1 =	srdreg.scid  }
0x8b: {  	s0 =	sand.u32 $0x1, s1  }
0x8c: {  	s18 =	sshll.u32 s0, $0xA;
	s2 =	sadd.s32 s3, s2  }
0x8d: {  	s2 =	sadd.s32 s2, s18  }
0x8e: {  	[smem:$0x3FC5] =	sst s2  }
0x8f: {  	_ = 	snop  }
0x90: {  	s2 =	sld [smem:$0x3FC9]  }
0x91: {  	s19 =	sld [smem:$0x3FC8]  }
0x92: {  	s4 =	sld [smem:$0x3FC7]  }
0x93: {  	s5 =	sld [smem:$0x3FD0];
	(tm) =	ssettm $0x1  }
0x94: {  	s6 =	sld [smem:$0x3FFB];
	_ =	sdelay $0x3  }
0x95: {  	_ =	strace s6  }
0x96: {  	s6 =	sld [smem:$0x3FFC];
	_ =	sdelay $0x3  }
0x97: {  	_ =	strace s6  }
0x98: {  	s6 =	sld [smem:$0x3FFD];
	_ =	sdelay $0x3  }
0x99: {  	_ =	strace s6  }
0x9a: {  	_ =	strace $0x8FFFFFFF  }
0x9b: {  	s20 =	sld [smem:$0x3FDB];
	_ =	sdelay $0x1  }
0x9c: {  	s7 =	simm.s32 $_scs_section_size  }
0x9d: {  	s8 =	simm.s32 $_size__tile_overlayer_lowered;
	s9 =	simm.s32 $_tile_overlayer_lowered  }
0x9e: {  	s23 =	simm.s32 $0x1BFF;
	s22 =	sshll.u32 s9, $0x1;
	s6 =	sadd.s32 s7, s20  }
0x9f: {  	s10 =	simm.s32 $0x0;
	s21 =	sshll.u32 s8, $0x1;
	s8 =	sadd.s32 s22, s6  }
0xa0: {  	[timem:s10], [sflag:s23] =	dma.local [hbm:s8], s21  }
0xa1: {  	_ =	swait.ge [sflag:s23], s21  }
0xa2: {  	s7 =	ssub.s32 $0x0, s21;
	[sflag:s23] =	ssyncset.done $0x0  }
0xa3: {  	[sflag:s23] =	ssyncadd.s32 s7;
	_ =	sdelay $0x1  }
0xa4: {  	s24 =	simm.s32 $0x1B8B  }
0xa5: {  	_ =	swait.ge [sflag:s24], $0x1  }
0xa6: {  	[sflag:s24] =	ssyncset.done $0x0  }
0xa7: {  	s25 =	simm.s32 $0x1B8E;
	[sflag:s24] =	ssyncadd.s32 $0xFFFFFFFF  }
0xa8: {  	s26 =	simm.s32 $execute0_lowered;
	[smem:$0x3FD2] =	sst s25  }
0xa9: {  	s7 =	sshll.u32 s26, $0x1;
	_ =	strace $0x80000046;
	[dreg:$0x1] =	wrdreg $0xFFFFFFFF  }
0xaa: {  	s28 =	simm.s32 $_size_execute0_lowered;
	s6 =	sadd.s32 s6, s7;
	[dreg:$0x0] =	wrdreg $0x0  }
0xab: {  	s7 =	sshll.u32 s28, $0x1;
	[dreg:$0x2] =	wrdreg s6  }
0xac: {  	[dreg:$0x3] =	wrdreg s7  }
0xad: {  	[dreg:$0x4] =	wrdreg $0xC0  }
0xae: {  	_ =	task [dreg:s10], $0x5FFFF  }
0xaf: {  	[dreg:$0x1] =	wrdreg $0xFFFFFFFF  }
0xb0: {  	[dreg:$0x0] =	wrdreg $0x60  }
0xb1: {  	[dreg:$0x2] =	wrdreg s2  }
0xb2: {  	[dreg:$0x3] =	wrdreg s19  }
0xb3: {  	[dreg:$0x4] =	wrdreg s4  }
0xb4: {  	[dreg:$0x5] =	wrdreg s5  }
0xb5: {  	[dreg:$0x6] =	wrdreg $0x9  }
0xb6: {  	_ =	task.clear_ibuf [dreg:s10], $0x7FFFF;
	_ =	strace $0x90000046  }
0xb7: {  	s29 =	simm.s32 $0x9;
	_ =	strace $0x80000048  }
0xb8: {  	_ =	swait.ge [sflag:s29], $0x1  }
0xb9: {  	[sflag:s29] =	ssyncadd.s32 $0xFFFFFFFF  }
0xba: {  	_ =	strace $0x90000048  }
0xbb: {  	_ =	sfence  }
0xbc: {  	s30 =	sld [smem:$0x0];
	_ =	sdelay $0x2  }
0xbd: {  	s31 =	sshll.u32 s1, $0xD;
	s1 =	sshrl.u32 s1, $0x2  }
0xbe: {  	s3 =	sand.u32 $0x4000, s31;
	s1 =	sadd.s32 s1, s30  }
0xbf: {  	s0 =	sor.u32 s3, s0;
	s1 =	sshll.u32 s1, $0x11  }
0xc0: {  	s0 =	sor.u32 s1, s0  }
0xc1: {  	s0 =	sadd.s32 $0x8F2B, s0  }
0xc2: {  	[sflag:s0] =	ssyncadd.remote.s32 $0x1  }
0xc3: {  	_ =	sfence.sel $0xFFFF  }
0xc4: {  	[dreg:$0x0] =	wrdreg $0xFFFFFFFF;
	(pc) =	sbr.abs _section_cstart, $3  }
0xc5: {  	[dreg:$0x1] =	wrdreg $0xFFFFFFFF  }
0xc6: {  	_ =	task.clear_ibuf [dreg:s10], $0x2FFFF;
	_ =	strace $0x9FFFFFFF  }
0xc7: {  	(tm) =	ssettm $0x7FFFFFFF  }
tec
execute0_lowered:
.L_overlay_start_1:
0x0: {  	(tag) =	ssettag $0x1  }
0x1: {  	s0 =	rddreg [dreg:$0x0]  }
0x2: {  	s1 =	rddreg [dreg:$0x1]  }
0x3: {  	s3 =	rddreg [dreg:$0x3];
	s2 =	srdreg.scid  }
0x4: {  	s4 =	simm.s32 $0x0;
	s6 =	stileid.u32;
	s20 =	simm.s32 $0x400  }
0x5: {  	s21 =	simm.s32 $0x20000;
	s28 =	simm.s32 $0x6480;
	s29 =	simm.s32 $0x9C80  }
0x6: {  	s30 =	simm.s32 $0xCC80;
	s22 =	simm.s32 $0x2;
	s2 =	sand.u32 $0x1, s2  }
0x7: {  	s6 =	sshll.u32 s6, $0xA;
	s5 =	ssub.s32 $0x2, s2;
	s2 =	sshll.u32 s2, $0x9  }
0x8: {  	[smem:$0x7FF] =	sst s4;
	s7 =	sshrl.u32 s5, $0x1;
	s2 =	sor.u32 s2, s6  }
0x9: {  	_ =	strace $0x80000047;
	s5 =	ssub.s32 s5, s7;
	s6 =	sadd.s32 s0, s2  }
0xa: {  	s23 =	sadd.s32 s1, s2;
	s8 =	sor.u32 $0x80, s2;
	s31 =	sor.u32 $0x100, s2  }
0xb: {  	s14 =	sadd.s32 s3, s2;
	s2 =	sor.u32 $0x180, s2;
	[dreg:$0x5] =	wrdreg s6  }
0xc: {  	s7 =	simm.s32 $0x0;
	s6 =	sadd.s32 $0x30000, s6;
	[dreg:$0x7] =	wrdreg s23  }
0xd: {  	s24 =	sadd.s32 s0, s8;
	s25 =	sadd.s32 s1, s8;
	s15 =	sadd.s32 s0, s31  }
0xe: {  	s16 =	sadd.s32 s1, s31;
	s5 =	smax.u32 s5, $0x1;
	[dreg:$0x6] =	wrdreg s6  }
0xf: {  	s18 =	sadd.s32 s0, s2;
	s19 =	sadd.s32 s1, s2;
	[dreg:$0x9] =	wrdreg s24  }
.Ltmp0:
0x10: {  	s0 =	simm.s32 $0x1;
	[dreg:$0xa] =	wrdreg s25;
	(pc) =	sbr.rel .LBB2_1-.Ltmp0, $4  }
0x11: {  	s2 =	simm.s32 $0xD080;
	s6 =	sadd.s32 $0x30000, s23;
	[dreg:$0xd] =	wrdreg s5  }
0x12: {  	s1 =	simm.s32 $0x10080;
	s26 =	sadd.s32 $0x30000, s25;
	[dreg:$0x8] =	wrdreg s6  }
0x13: {  	s23 =	simm.s32 $0x10480;
	s6 =	sadd.s32 $0x30000, s24;
	[dreg:$0xc] =	wrdreg s26  }
0x14: {  	s26 =	simm.s32 $0x3480;
	s24 =	simm.s32 $0x13480;
	[dreg:$0xb] =	wrdreg s6  }
.LBB2_8:
0x15: {  	s5 =	simm.s32 $0x3  }
0x16: {  	_ =	swait.ge [sflag:s5], $0x3200  }
0x17: {  	[sflag:s5] =	ssyncset.done $0x0  }
0x18: {  	s6 =	simm.s32 $0x4;
	[sflag:s5] =	ssyncadd.s32 $0xFFFFCE00  }
0x19: {  	_ =	swait.ge [sflag:s6], $0x3200  }
0x1a: {  	s7 =	rddreg [dreg:$0xe]  }
0x1b: {  	s31 =	rddreg [dreg:$0xd];
	s7 =	sadd.s32 $0x1, s7  }
0x1c: {  	p0 =	sne.s32 s7, s31  }
.Ltmp1:
0x1d: {  	_ = 	snop;
	(pc) =	sbr.rel @!p0 .LBB2_9-.Ltmp1, $3  }
0x1e: {  	_ =	sdelay $0x1  }
0x1f: {  	[sflag:s6] =	ssyncset.done $0x0  }
0x20: {  	[sflag:s6] =	ssyncadd.s32 $0xFFFFCE00  }
.LBB2_1:
0x21: {  	[dreg:$0xe] =	wrdreg s7  }
0x22: {  	s5 =	rddreg [dreg:$0x5];
	s6 =	simm.s32 $0x80  }
0x23: {  	[tilespmem:s6], [sflag:$0x1] =	stream.strided.gather [hbm4b:s5+s20], $0x3000, s21, s20, $0x38;
	[tilespmem:$0x13880] =	vst v63  }
0x24: {  	s25 =	rddreg [dreg:$0x6];
	s31 =	simm.s32 $0x3080  }
0x25: {  	[tilespmem:s31], [sflag:$0x1] =	stream.linear.gather [hbm4b:s25+s4], $0x200, $0x38;
	[tilespmem:$0x13880] =	vst v63  }
0x26: {  	s7 =	simm.s32 $0x6880;
	s6 =	rddreg [dreg:$0x7]  }
0x27: {  	[tilespmem:s7], [sflag:$0x1] =	stream.strided.gather [hbm4b:s6+s20], $0x3000, s21, s20, $0x38;
	[tilespmem:$0x13880] =	vst v63  }
0x28: {  	s9 =	rddreg [dreg:$0x8];
	s10 =	simm.s32 $0x9880  }
0x29: {  	[tilespmem:s10], [sflag:$0x1] =	stream.linear.gather [hbm4b:s9+s4], $0x200, $0x38;
	[tilespmem:$0x13880] =	vst v63  }
0x2a: {  	s11 =	rddreg [dreg:$0x9]  }
0x2b: {  	[tilespmem:s26], [sflag:$0x2] =	stream.strided.gather [hbm4b:s11+s20], $0x3000, s21, s20, $0x38;
	[tilespmem:$0x13880] =	vst v63  }
0x2c: {  	s12 =	rddreg [dreg:$0xb]  }
0x2d: {  	[tilespmem:s28], [sflag:$0x2] =	stream.linear.gather [hbm4b:s12+s4], $0x200, $0x38;
	[tilespmem:$0x13880] =	vst v63  }
0x2e: {  	s13 =	rddreg [dreg:$0xa]  }
0x2f: {  	[tilespmem:s29], [sflag:$0x2] =	stream.strided.gather [hbm4b:s13+s20], $0x3000, s21, s20, $0x38;
	[tilespmem:$0x13880] =	vst v63  }
0x30: {  	s17 =	rddreg [dreg:$0xc]  }
0x31: {  	[tilespmem:s30], [sflag:$0x2] =	stream.linear.gather [hbm4b:s17+s4], $0x200, $0x38;
	[tilespmem:$0x13880] =	vst v63  }
0x32: {  	s25 =	rddreg [dreg:$0x2];
	s31 =	simm.s32 $0x5  }
0x33: {  	[tilespmem:s4], [sflag:$0x5] =	stream.linear.gather [hbm4b:s25+s4], $0x80, $0x38;
	[tilespmem:$0x13880] =	vst v63  }
0x34: {  	_ =	swait.ge [sflag:s31], $0x80  }
0x35: {  	[sflag:s31] =	ssyncset.done $0x0  }
0x36: {  	[sflag:s31] =	ssyncadd.s32 $0xFFFFFF80  }
0x37: {  	v0 =	vld [tilespmem:$0x0];
	_ =	sdelay $0x2  }
0x38: {  	p0 =	por $0x1, $0x1;
	s12 =	simm.s32 $0x0  }
.LBB2_2:
0x39: {  	_ =	swait.ge [sflag:s0], $0x3200  }
0x3a: {  	[sflag:s0] =	ssyncset.done $0x0  }
0x3b: {  	[sflag:s0] =	ssyncadd.s32 $0xFFFFCE00  }
0x3c: {  	_ =	swait.ge [sflag:s0], $0x3200  }
0x3d: {  	[sflag:s0] =	ssyncset.done $0x0  }
0x3e: {  	s5 =	simm.s32 @!p0 $0x3;
	[sflag:s0] =	ssyncadd.s32 $0xFFFFCE00  }
0x3f: {  	_ =	swait.ge @!p0 [sflag:s5], $0x3200  }
0x40: {  	[sflag:s5] =	ssyncset.done @!p0 $0x0  }
0x41: {  	s6 =	simm.s32 $0x100;
	[sflag:s5] =	ssyncadd.s32 @!p0 $0xFFFFCE00  }
0x42: {  	s25 =	simm.s32 $0x6900;
	v1 =	vld [tilespmem:s6+$0x0]  }
0x43: {  	v2 =	vld [tilespmem:s25+$0x0];
	_ =	sdelay $0x3  }
0x44: {  	v1 =	vshll.u32 v1, $0x2  }
0x45: {  	v1 =	vadd.s32 v2, v1  }
0x46: {  	v1 =	vperm.xlane v0, v1  }
0x47: {  	s13 =	simm.s32 $0xD100;
	v2 =	vld [tilespmem:s6+$0xFFFFFF80]  }
0x48: {  	v3 =	vld [tilespmem:s25+$0xFFFFFF80];
	[tilespmem:s13+$0x0] =	vst v1  }
0x49: {  	v1 =	vld [tilespmem:s6+$0x10]  }
0x4a: {  	v4 =	vld [tilespmem:s25+$0x10];
	_ =	sdelay $0x1  }
0x4b: {  	v2 =	vshll.u32 v2, $0x2  }
0x4c: {  	v2 =	vadd.s32 v3, v2  }
0x4d: {  	v2 =	vperm.xlane v0, v2;
	v1 =	vshll.u32 v1, $0x2  }
0x4e: {  	v1 =	vadd.s32 v4, v1  }
0x4f: {  	[tilespmem:s13+$0xFFFFFF80] =	vst v2;
	v1 =	vperm.xlane v0, v1  }
0x50: {  	v2 =	vld [tilespmem:s6+$0xFFFFFF90]  }
0x51: {  	v3 =	vld [tilespmem:s25+$0xFFFFFF90];
	[tilespmem:s13+$0x10] =	vst v1  }
0x52: {  	v1 =	vld [tilespmem:s6+$0x20]  }
0x53: {  	v4 =	vld [tilespmem:s25+$0x20];
	_ =	sdelay $0x1  }
0x54: {  	v2 =	vshll.u32 v2, $0x2  }
0x55: {  	v2 =	vadd.s32 v3, v2  }
0x56: {  	v2 =	vperm.xlane v0, v2;
	v1 =	vshll.u32 v1, $0x2  }
0x57: {  	v1 =	vadd.s32 v4, v1  }
0x58: {  	[tilespmem:s13+$0xFFFFFF90] =	vst v2;
	v1 =	vperm.xlane v0, v1  }
0x59: {  	v2 =	vld [tilespmem:s6+$0xFFFFFFA0]  }
0x5a: {  	v3 =	vld [tilespmem:s25+$0xFFFFFFA0];
	[tilespmem:s13+$0x20] =	vst v1  }
0x5b: {  	v1 =	vld [tilespmem:s6+$0x30]  }
0x5c: {  	s5 =	simm.s32 $0x200;
	v4 =	vld [tilespmem:s25+$0x30]  }
0x5d: {  	s7 =	simm.s32 $0x6A00;
	v5 =	vld [tilespmem:s5+$0x0]  }
0x5e: {  	v6 =	vld [tilespmem:s7+$0x0];
	v2 =	vshll.u32 v2, $0x2  }
0x5f: {  	v2 =	vadd.s32 v3, v2  }
0x60: {  	v2 =	vperm.xlane v0, v2;
	v1 =	vshll.u32 v1, $0x2  }
0x61: {  	v3 =	vld [tilespmem:s5+$0xFFFFFF80];
	v1 =	vadd.s32 v4, v1  }
0x62: {  	[tilespmem:s13+$0xFFFFFFA0] =	vst v2;
	v2 =	vld [tilespmem:s7+$0xFFFFFF80];
	v4 =	vshll.u32 v5, $0x2;
	v1 =	vperm.xlane v0, v1  }
0x63: {  	v5 =	vld [tilespmem:s6+$0xFFFFFFB0];
	v4 =	vadd.s32 v6, v4  }
0x64: {  	v6 =	vld [tilespmem:s25+$0xFFFFFFB0];
	v4 =	vperm.xlane v0, v4;
	[tilespmem:s13+$0x30] =	vst v1  }
0x65: {  	s17 =	simm.s32 $0xD200;
	v1 =	vld [tilespmem:s6+$0x40]  }
0x66: {  	v3 =	vshll.u32 v3, $0x2;
	[tilespmem:s17+$0x0] =	vst v4;
	v4 =	vld [tilespmem:s25+$0x40]  }
0x67: {  	v2 =	vadd.s32 v2, v3;
	v3 =	vld [tilespmem:s5+$0x10]  }
0x68: {  	v2 =	vperm.xlane v0, v2;
	v5 =	vshll.u32 v5, $0x2;
	v7 =	vld [tilespmem:s7+$0x10]  }
0x69: {  	v5 =	vadd.s32 v6, v5  }
0x6a: {  	[tilespmem:s17+$0xFFFFFF80] =	vst v2;
	v2 =	vperm.xlane v0, v5;
	v1 =	vshll.u32 v1, $0x2  }
0x6b: {  	v5 =	vld [tilespmem:s5+$0xFFFFFF90];
	v1 =	vadd.s32 v4, v1  }
0x6c: {  	[tilespmem:s13+$0xFFFFFFB0] =	vst v2;
	v4 =	vld [tilespmem:s7+$0xFFFFFF90];
	v2 =	vshll.u32 v3, $0x2;
	v1 =	vperm.xlane v0, v1  }
0x6d: {  	v3 =	vld [tilespmem:s6+$0xFFFFFFC0];
	v2 =	vadd.s32 v7, v2  }
0x6e: {  	v6 =	vld [tilespmem:s25+$0xFFFFFFC0];
	v2 =	vperm.xlane v0, v2;
	[tilespmem:s13+$0x40] =	vst v1  }
0x6f: {  	v1 =	vld [tilespmem:s6+$0x50]  }
0x70: {  	v5 =	vshll.u32 v5, $0x2;
	[tilespmem:s17+$0x10] =	vst v2;
	v2 =	vld [tilespmem:s25+$0x50]  }
0x71: {  	v4 =	vadd.s32 v4, v5;
	v5 =	vld [tilespmem:s5+$0x20]  }
0x72: {  	v3 =	vshll.u32 v3, $0x2;
	v7 =	vld [tilespmem:s7+$0x20]  }
0x73: {  	v4 =	vperm.xlane v0, v4;
	v3 =	vadd.s32 v6, v3  }
0x74: {  	s31 =	simm.s32 $0x6B00;
	v3 =	vperm.xlane v0, v3;
	v1 =	vshll.u32 v1, $0x2  }
0x75: {  	v9 =	vld [tilespmem:s31+$0x0];
	[tilespmem:s17+$0xFFFFFF90] =	vst v4;
	v1 =	vadd.s32 v2, v1  }
0x76: {  	v4 =	vld [tilespmem:s5+$0xFFFFFFA0];
	[tilespmem:s13+$0xFFFFFFC0] =	vst v3;
	v3 =	vshll.u32 v5, $0x2;
	v1 =	vperm.xlane v0, v1  }
0x77: {  	v2 =	vld [tilespmem:s7+$0xFFFFFFA0];
	v3 =	vadd.s32 v7, v3  }
0x78: {  	v5 =	vld [tilespmem:s6+$0xFFFFFFD0];
	v3 =	vperm.xlane v0, v3;
	[tilespmem:s13+$0x50] =	vst v1  }
0x79: {  	v1 =	vld [tilespmem:s6+$0x60]  }
0x7a: {  	[tilespmem:s17+$0x20] =	vst v3;
	v3 =	vld [tilespmem:s25+$0x60]  }
0x7b: {  	v7 =	vld [tilespmem:s5+$0x30]  }
0x7c: {  	s10 =	simm.s32 $0x300;
	v4 =	vshll.u32 v4, $0x2;
	v8 =	vld [tilespmem:s7+$0x30]  }
0x7d: {  	v2 =	vadd.s32 v2, v4;
	v4 =	vld [tilespmem:s10+$0x0]  }
0x7e: {  	v6 =	vld [tilespmem:s25+$0xFFFFFFD0];
	v2 =	vperm.xlane v0, v2;
	v1 =	vshll.u32 v1, $0x2  }
0x7f: {  	v1 =	vadd.s32 v3, v1;
	v3 =	vld [tilespmem:s10+$0xFFFFFF80]  }
0x80: {  	[tilespmem:s17+$0xFFFFFFA0] =	vst v2;
	v2 =	vld [tilespmem:s31+$0xFFFFFF80];
	v7 =	vshll.u32 v7, $0x2;
	v1 =	vperm.xlane v0, v1  }
0x81: {  	v7 =	vadd.s32 v8, v7;
	v8 =	vld [tilespmem:s5+$0xFFFFFFB0]  }
0x82: {  	v4 =	vshll.u32 v4, $0x2;
	v7 =	vperm.xlane v0, v7;
	[tilespmem:s13+$0x60] =	vst v1;
	v1 =	vld [tilespmem:s7+$0xFFFFFFB0]  }
0x83: {  	v4 =	vadd.s32 v9, v4;
	v62 =	vld [tilespmem:s6+$0x70]  }
0x84: {  	v4 =	vperm.xlane v0, v4;
	[tilespmem:s17+$0x30] =	vst v7;
	v7 =	vld [tilespmem:s25+$0x70];
	v3 =	vshll.u32 v3, $0x2  }
0x85: {  	s11 =	simm.s32 $0xD300;
	v2 =	vadd.s32 v2, v3;
	v3 =	vld [tilespmem:s5+$0x40]  }
0x86: {  	[tilespmem:s11+$0x0] =	vst v4;
	v4 =	vshll.u32 v8, $0x2;
	v8 =	vld [tilespmem:s7+$0x40];
	v2 =	vperm.xlane v0, v2  }
0x87: {  	v1 =	vadd.s32 v1, v4;
	v4 =	vld [tilespmem:s10+$0x10]  }
0x88: {  	v5 =	vshll.u32 v5, $0x2;
	[tilespmem:s11+$0xFFFFFF80] =	vst v2;
	v2 =	vld [tilespmem:s31+$0x10];
	v1 =	vperm.xlane v0, v1  }
0x89: {  	v5 =	vadd.s32 v6, v5;
	v6 =	vld [tilespmem:s10+$0xFFFFFF90]  }
0x8a: {  	v5 =	vperm.xlane v0, v5;
	[tilespmem:s17+$0xFFFFFFB0] =	vst v1;
	v1 =	vld [tilespmem:s31+$0xFFFFFF90];
	v3 =	vshll.u32 v3, $0x2  }
0x8b: {  	v3 =	vadd.s32 v8, v3;
	v8 =	vld [tilespmem:s5+$0xFFFFFFC0]  }
0x8c: {  	[tilespmem:s13+$0xFFFFFFD0] =	vst v5;
	v5 =	vld [tilespmem:s7+$0xFFFFFFC0];
	v4 =	vshll.u32 v4, $0x2;
	v3 =	vperm.xlane v0, v3  }
0x8d: {  	v2 =	vadd.s32 v2, v4;
	v4 =	vld [tilespmem:s6+$0xFFFFFFE0]  }
0x8e: {  	v6 =	vshll.u32 v6, $0x2;
	v2 =	vperm.xlane v0, v2;
	[tilespmem:s17+$0x40] =	vst v3;
	v3 =	vld [tilespmem:s25+$0xFFFFFFE0]  }
0x8f: {  	v1 =	vadd.s32 v1, v6;
	v6 =	vld [tilespmem:s5+$0x50]  }
0x90: {  	v1 =	vperm.xlane v0, v1;
	[tilespmem:s11+$0x10] =	vst v2;
	v2 =	vshll.u32 v8, $0x2;
	v8 =	vld [tilespmem:s7+$0x50]  }
0x91: {  	v2 =	vadd.s32 v5, v2;
	v5 =	vld [tilespmem:s10+$0x20]  }
0x92: {  	[tilespmem:s11+$0xFFFFFF90] =	vst v1;
	v1 =	vld [tilespmem:s31+$0x20];
	v2 =	vperm.xlane v0, v2;
	v4 =	vshll.u32 v4, $0x2  }
0x93: {  	v3 =	vadd.s32 v3, v4;
	v4 =	vld [tilespmem:s10+$0xFFFFFFA0]  }
0x94: {  	[tilespmem:s17+$0xFFFFFFC0] =	vst v2;
	v2 =	vld [tilespmem:s31+$0xFFFFFFA0];
	v6 =	vshll.u32 v6, $0x2;
	v3 =	vperm.xlane v0, v3  }
0x95: {  	v6 =	vadd.s32 v8, v6;
	v8 =	vld [tilespmem:s5+$0xFFFFFFD0]  }
0x96: {  	v10 =	vld [tilespmem:s7+$0xFFFFFFD0];
	v5 =	vshll.u32 v5, $0x2;
	[tilespmem:s13+$0xFFFFFFE0] =	vst v3;
	v3 =	vperm.xlane v0, v6  }
0x97: {  	v6 =	vshll.u32 v62, $0x2;
	v1 =	vadd.s32 v1, v5;
	v63 =	vld [tilespmem:s6+$0xFFFFFFF0]  }
0x98: {  	v5 =	vadd.s32 v7, v6;
	v4 =	vshll.u32 v4, $0x2;
	v6 =	vperm.xlane v0, v1;
	[tilespmem:s17+$0x50] =	vst v3;
	v1 =	vld [tilespmem:s25+$0xFFFFFFF0]  }
0x99: {  	v5 =	vperm.xlane v0, v5;
	v3 =	vadd.s32 v2, v4;
	v2 =	vld [tilespmem:s5+$0x60]  }
0x9a: {  	v4 =	vperm.xlane v0, v3;
	[tilespmem:s11+$0x20] =	vst v6;
	v7 =	vshll.u32 v8, $0x2;
	v3 =	vld [tilespmem:s7+$0x60]  }
0x9b: {  	[tilespmem:s13+$0x70] =	vst v5;
	v6 =	vld [tilespmem:s10+$0x30];
	v5 =	vadd.s32 v10, v7  }
0x9c: {  	s9 =	simm.s32 $0x400;
	s6 =	simm.s32 $0x4;
	s25 =	simm.s32 $0x6B00;
	v7 =	vld [tilespmem:s31+$0x30];
	[tilespmem:s11+$0xFFFFFFA0] =	vst v4;
	v5 =	vperm.xlane v0, v5;
	v4 =	vshll.u32 v63, $0x2  }
.LBB2_3:
0x9d: {  	v8 =	vld [tilespmem:s9+$0x0];
	s6 =	sadd.s32 $0x2, s6;
	s31 =	sadd.s32 $0x100, s31;
	v1 =	vadd.s32 v1, v4  }
0x9e: {  	v4 =	vld [tilespmem:s31+$0x0];
	p1 =	slt.u32 s6, $0x62;
	[tilespmem:s17+$0xFFFFFFD0] =	vst v5;
	v2 =	vshll.u32 v2, $0x2;
	v1 =	vperm.xlane v0, v1  }
0x9f: {  	v5 =	vld [tilespmem:s9+$0xFFFFFF80];
	v2 =	vadd.s32 v3, v2  }
0xa0: {  	v3 =	vld [tilespmem:s31+$0xFFFFFF80];
	v6 =	vshll.u32 v6, $0x2;
	v2 =	vperm.xlane v0, v2;
	[tilespmem:s13+$0xFFFFFFF0] =	vst v1;
	s13 =	smov.u32 s17;
	s17 =	smov.u32 s11  }
0xa1: {  	v1 =	vld [tilespmem:s10+$0xFFFFFFB0];
	v6 =	vadd.s32 v7, v6  }
0xa2: {  	v7 =	vshll.u32 v8, $0x2;
	v8 =	vld [tilespmem:s25+$0xFFFFFFB0];
	v6 =	vperm.xlane v0, v6;
	[tilespmem:s13+$0x60] =	vst v2  }
0xa3: {  	v2 =	vadd.s32 v4, v7;
	v4 =	vld [tilespmem:s5+$0x70]  }
0xa4: {  	v5 =	vshll.u32 v5, $0x2;
	v2 =	vperm.xlane v0, v2;
	[tilespmem:s11+$0x30] =	vst v6;
	v6 =	vld [tilespmem:s7+$0x70]  }
0xa5: {  	s11 =	sadd.s32 $0x100, s11;
	v3 =	vadd.s32 v3, v5;
	v5 =	vld [tilespmem:s10+$0x40]  }
0xa6: {  	v3 =	vperm.xlane v0, v3;
	[tilespmem:s11+$0x0] =	vst v2;
	v1 =	vshll.u32 v1, $0x2;
	v2 =	vld [tilespmem:s25+$0x40]  }
0xa7: {  	v7 =	vld [tilespmem:s9+$0x10];
	v1 =	vadd.s32 v8, v1  }
0xa8: {  	[tilespmem:s11+$0xFFFFFF80] =	vst v3;
	v3 =	vld [tilespmem:s31+$0x10];
	v1 =	vperm.xlane v0, v1;
	v4 =	vshll.u32 v4, $0x2  }
0xa9: {  	v8 =	vld [tilespmem:s9+$0xFFFFFF90];
	v4 =	vadd.s32 v6, v4  }
0xaa: {  	v6 =	vld [tilespmem:s31+$0xFFFFFF90];
	[tilespmem:s17+$0xFFFFFFB0] =	vst v1;
	v1 =	vshll.u32 v5, $0x2;
	v4 =	vperm.xlane v0, v4  }
0xab: {  	v5 =	vld [tilespmem:s10+$0xFFFFFFC0];
	v1 =	vadd.s32 v2, v1  }
0xac: {  	v2 =	vshll.u32 v7, $0x2;
	v7 =	vld [tilespmem:s25+$0xFFFFFFC0];
	v1 =	vperm.xlane v0, v1;
	[tilespmem:s13+$0x70] =	vst v4  }
0xad: {  	v2 =	vadd.s32 v3, v2;
	v3 =	vld [tilespmem:s5+$0xFFFFFFE0]  }
0xae: {  	v4 =	vshll.u32 v8, $0x2;
	v2 =	vperm.xlane v0, v2;
	[tilespmem:s17+$0x40] =	vst v1;
	v1 =	vld [tilespmem:s7+$0xFFFFFFE0]  }
0xaf: {  	v4 =	vadd.s32 v6, v4;
	v6 =	vld [tilespmem:s10+$0x50]  }
0xb0: {  	v4 =	vperm.xlane v0, v4;
	[tilespmem:s11+$0x10] =	vst v2;
	v2 =	vshll.u32 v5, $0x2;
	v5 =	vld [tilespmem:s25+$0x50]  }
0xb1: {  	v8 =	vld [tilespmem:s9+$0x20];
	v2 =	vadd.s32 v7, v2  }
0xb2: {  	[tilespmem:s11+$0xFFFFFF90] =	vst v4;
	v4 =	vld [tilespmem:s31+$0x20];
	v2 =	vperm.xlane v0, v2;
	v3 =	vshll.u32 v3, $0x2  }
0xb3: {  	v7 =	vld [tilespmem:s9+$0xFFFFFFA0];
	v1 =	vadd.s32 v1, v3  }
0xb4: {  	v3 =	vld [tilespmem:s31+$0xFFFFFFA0];
	[tilespmem:s17+$0xFFFFFFC0] =	vst v2;
	v2 =	vshll.u32 v6, $0x2;
	v1 =	vperm.xlane v0, v1  }
0xb5: {  	v6 =	vld [tilespmem:s10+$0xFFFFFFD0];
	v2 =	vadd.s32 v5, v2  }
0xb6: {  	v5 =	vshll.u32 v8, $0x2;
	v8 =	vld [tilespmem:s25+$0xFFFFFFD0];
	v2 =	vperm.xlane v0, v2;
	[tilespmem:s13+$0xFFFFFFE0] =	vst v1  }
0xb7: {  	v1 =	vadd.s32 v4, v5;
	v4 =	vld [tilespmem:s5+$0xFFFFFFF0];
	s5 =	smov.u32 s10;
	s10 =	smov.u32 s9  }
.Ltmp2:
0xb8: {  	v5 =	vshll.u32 v7, $0x2;
	v7 =	vperm.xlane v0, v1;
	[tilespmem:s17+$0x50] =	vst v2;
	v1 =	vld [tilespmem:s7+$0xFFFFFFF0];
	s7 =	smov.u32 s25;
	s25 =	smov.u32 s31;
	(pc) =	sbr.rel @p1 .LBB2_3-.Ltmp2, $4  }
0xb9: {  	v3 =	vadd.s32 v3, v5;
	v2 =	vld [tilespmem:s5+$0x60]  }
0xba: {  	v5 =	vperm.xlane v0, v3;
	[tilespmem:s11+$0x20] =	vst v7;
	v7 =	vshll.u32 v6, $0x2;
	v3 =	vld [tilespmem:s7+$0x60]  }
0xbb: {  	v6 =	vld [tilespmem:s9+$0x30];
	v8 =	vadd.s32 v8, v7  }
0xbc: {  	s9 =	sadd.s32 $0x100, s9;
	[tilespmem:s11+$0xFFFFFFA0] =	vst v5;
	v7 =	vld [tilespmem:s31+$0x30];
	v5 =	vperm.xlane v0, v8;
	v4 =	vshll.u32 v4, $0x2  }
0xbd: {  	v8 =	vld [tilespmem:s10+$0xFFFFFFB0]  }
0xbe: {  	v9 =	vld [tilespmem:s25+$0xFFFFFFB0];
	_ =	sdelay $0x1  }
0xbf: {  	v6 =	vshll.u32 v6, $0x2  }
0xc0: {  	v6 =	vadd.s32 v7, v6  }
0xc1: {  	v6 =	vperm.xlane v0, v6;
	v7 =	vshll.u32 v8, $0x2  }
0xc2: {  	v7 =	vadd.s32 v9, v7  }
0xc3: {  	[tilespmem:s11+$0x30] =	vst v6;
	v6 =	vperm.xlane v0, v7  }
0xc4: {  	v7 =	vld [tilespmem:s10+$0x40]  }
0xc5: {  	v8 =	vld [tilespmem:s25+$0x40];
	[tilespmem:s11+$0xFFFFFFB0] =	vst v6  }
0xc6: {  	v6 =	vld [tilespmem:s10+$0xFFFFFFC0]  }
0xc7: {  	v56 =	vld [tilespmem:s25+$0xFFFFFFC0];
	_ =	sdelay $0x1  }
0xc8: {  	v7 =	vshll.u32 v7, $0x2  }
0xc9: {  	v7 =	vadd.s32 v8, v7  }
0xca: {  	v7 =	vperm.xlane v0, v7;
	v6 =	vshll.u32 v6, $0x2  }
0xcb: {  	v6 =	vadd.s32 v56, v6  }
0xcc: {  	[tilespmem:s11+$0x40] =	vst v7;
	v6 =	vperm.xlane v0, v6  }
0xcd: {  	v7 =	vld [tilespmem:s10+$0x50]  }
0xce: {  	v8 =	vld [tilespmem:s25+$0x50];
	[tilespmem:s11+$0xFFFFFFC0] =	vst v6  }
0xcf: {  	v6 =	vld [tilespmem:s10+$0xFFFFFFD0]  }
0xd0: {  	v57 =	vld [tilespmem:s25+$0xFFFFFFD0];
	_ =	sdelay $0x1  }
0xd1: {  	v7 =	vshll.u32 v7, $0x2  }
0xd2: {  	v7 =	vadd.s32 v8, v7  }
0xd3: {  	[tilespmem:s17+$0xFFFFFFD0] =	vst v5;
	v5 =	vperm.xlane v0, v7;
	v6 =	vshll.u32 v6, $0x2  }
0xd4: {  	v7 =	vld [tilespmem:s5+$0xFFFFFFE0];
	v6 =	vadd.s32 v57, v6  }
0xd5: {  	v8 =	vld [tilespmem:s7+$0xFFFFFFE0];
	[tilespmem:s11+$0x50] =	vst v5;
	v5 =	vperm.xlane v0, v6  }
0xd6: {  	v6 =	vld [tilespmem:s10+$0x60]  }
0xd7: {  	v2 =	vshll.u32 v2, $0x2;
	v58 =	vld [tilespmem:s25+$0x60];
	[tilespmem:s11+$0xFFFFFFD0] =	vst v5  }
0xd8: {  	v2 =	vadd.s32 v3, v2;
	v3 =	vld [tilespmem:s10+$0xFFFFFFE0]  }
0xd9: {  	v2 =	vperm.xlane v0, v2;
	v5 =	vshll.u32 v7, $0x2;
	v7 =	vld [tilespmem:s25+$0xFFFFFFE0]  }
0xda: {  	v5 =	vadd.s32 v8, v5  }
0xdb: {  	[tilespmem:s17+$0x60] =	vst v2;
	v2 =	vperm.xlane v0, v5;
	v5 =	vshll.u32 v6, $0x2  }
0xdc: {  	v8 =	vld [tilespmem:s7+$0x70];
	v5 =	vadd.s32 v58, v5  }
0xdd: {  	v6 =	vld [tilespmem:s5+$0x70];
	[tilespmem:s17+$0xFFFFFFE0] =	vst v2;
	v2 =	vperm.xlane v0, v5;
	v3 =	vshll.u32 v3, $0x2  }
0xde: {  	v5 =	vld [tilespmem:s5+$0xFFFFFFF0];
	v3 =	vadd.s32 v7, v3  }
0xdf: {  	v7 =	vld [tilespmem:s7+$0xFFFFFFF0];
	[tilespmem:s11+$0x60] =	vst v2;
	v2 =	vperm.xlane v0, v3  }
0xe0: {  	v3 =	vld [tilespmem:s10+$0x70]  }
0xe1: {  	v59 =	vld [tilespmem:s25+$0x70];
	[tilespmem:s11+$0xFFFFFFE0] =	vst v2  }
0xe2: {  	v2 =	vld [tilespmem:s10+$0xFFFFFFF0]  }
0xe3: {  	v10 =	vld [tilespmem:s25+$0xFFFFFFF0]  }
0xe4: {  	v1 =	vadd.s32 v1, v4;
	v4 =	vshll.u32 v6, $0x2  }
0xe5: {  	v1 =	vperm.xlane v0, v1;
	v4 =	vadd.s32 v8, v4;
	v5 =	vshll.u32 v5, $0x2  }
0xe6: {  	v4 =	vperm.xlane v0, v4;
	v5 =	vadd.s32 v7, v5;
	v3 =	vshll.u32 v3, $0x2  }
0xe7: {  	[tilespmem:s13+$0xFFFFFFF0] =	vst v1;
	v1 =	vperm.xlane v0, v5;
	v3 =	vadd.s32 v59, v3;
	v2 =	vshll.u32 v2, $0x2  }
0xe8: {  	[tilespmem:s17+$0x70] =	vst v4;
	v3 =	vperm.xlane v0, v3;
	v2 =	vadd.s32 v10, v2  }
0xe9: {  	[tilespmem:s17+$0xFFFFFFF0] =	vst v1;
	v1 =	vperm.xlane v0, v2  }
0xea: {  	[tilespmem:s11+$0x70] =	vst v3  }
0xeb: {  	s17 =	sadd.s32 s12, s14;
	[tilespmem:s11+$0xFFFFFFF0] =	vst v1  }
0xec: {  	[hbm4b:s17+s20] =	stream.strided.scatter [tilespmem:s2], [sflag:$0x3], $0x3000, s21, s20, $0x38;
	[tilespmem:$0x13880] =	vst v63  }
0xed: {  	s5 =	sadd.s32 $0x30000, s17  }
0xee: {  	[hbm4b:s5+s4] =	stream.linear.scatter [tilespmem:s1], [sflag:$0x3], $0x200, $0x38;
	[tilespmem:$0x13880] =	vst v63  }
0xef: {  	s6 =	simm.s32 @p0 $0x20000;
	s7 =	simm.s32 @p0 $0x80;
	s5 =	simm.s32 @p0 $0x400  }
0xf0: {  	[tilespmem:s7], [sflag:$0x1] =	stream.strided.gather @p0 [hbm4b:s15+s5], $0x3000, s6, s5, $0x38;
	[tilespmem:$0x13880] =	vst v63  }
0xf1: {  	s9 =	simm.s32 @p0 $0x0;
	s10 =	simm.s32 @p0 $0x3080;
	s7 =	sadd.s32 @p0 $0x30000, s15  }
0xf2: {  	[tilespmem:s10], [sflag:$0x1] =	stream.linear.gather @p0 [hbm4b:s7+s9], $0x200, $0x38;
	[tilespmem:$0x13880] =	vst v63  }
0xf3: {  	s7 =	simm.s32 @p0 $0x6880  }
0xf4: {  	[tilespmem:s7], [sflag:$0x1] =	stream.strided.gather @p0 [hbm4b:s16+s5], $0x3000, s6, s5, $0x38;
	[tilespmem:$0x13880] =	vst v63  }
0xf5: {  	s5 =	sadd.s32 @p0 $0x30000, s16;
	s6 =	simm.s32 @p0 $0x9880  }
0xf6: {  	[tilespmem:s6], [sflag:$0x1] =	stream.linear.gather @p0 [hbm4b:s5+s9], $0x200, $0x38;
	[tilespmem:$0x13880] =	vst v63  }
0xf7: {  	_ =	swait.ge [sflag:s22], $0x3200  }
0xf8: {  	[sflag:s22] =	ssyncset.done $0x0  }
0xf9: {  	[sflag:s22] =	ssyncadd.s32 $0xFFFFCE00  }
0xfa: {  	_ =	swait.ge [sflag:s22], $0x3200  }
0xfb: {  	[sflag:s22] =	ssyncset.done $0x0  }
0xfc: {  	s5 =	simm.s32 @!p0 $0x4;
	[sflag:s22] =	ssyncadd.s32 $0xFFFFCE00  }
0xfd: {  	_ =	swait.ge @!p0 [sflag:s5], $0x3200  }
0xfe: {  	[sflag:s5] =	ssyncset.done @!p0 $0x0  }
0xff: {  	s25 =	simm.s32 $0x3500;
	[sflag:s5] =	ssyncadd.s32 @!p0 $0xFFFFCE00  }
0x100: {  	s9 =	simm.s32 $0x9D00;
	v1 =	vld [tilespmem:s25+$0x0]  }
0x101: {  	v2 =	vld [tilespmem:s9+$0x0];
	_ =	sdelay $0x3  }
0x102: {  	v1 =	vshll.u32 v1, $0x2  }
0x103: {  	v1 =	vadd.s32 v2, v1  }
0x104: {  	v1 =	vperm.xlane v0, v1  }
0x105: {  	s13 =	simm.s32 $0x10500;
	v2 =	vld [tilespmem:s25+$0xFFFFFF80]  }
0x106: {  	v3 =	vld [tilespmem:s9+$0xFFFFFF80];
	[tilespmem:s13+$0x0] =	vst v1  }
0x107: {  	v1 =	vld [tilespmem:s25+$0x10]  }
0x108: {  	v4 =	vld [tilespmem:s9+$0x10];
	_ =	sdelay $0x1  }
0x109: {  	v2 =	vshll.u32 v2, $0x2  }
0x10a: {  	v2 =	vadd.s32 v3, v2  }
0x10b: {  	v2 =	vperm.xlane v0, v2;
	v1 =	vshll.u32 v1, $0x2  }
0x10c: {  	v1 =	vadd.s32 v4, v1  }
0x10d: {  	[tilespmem:s13+$0xFFFFFF80] =	vst v2;
	v1 =	vperm.xlane v0, v1  }
0x10e: {  	v2 =	vld [tilespmem:s25+$0xFFFFFF90]  }
0x10f: {  	v3 =	vld [tilespmem:s9+$0xFFFFFF90];
	[tilespmem:s13+$0x10] =	vst v1  }
0x110: {  	v1 =	vld [tilespmem:s25+$0x20]  }
0x111: {  	v4 =	vld [tilespmem:s9+$0x20];
	_ =	sdelay $0x1  }
0x112: {  	v2 =	vshll.u32 v2, $0x2  }
0x113: {  	v2 =	vadd.s32 v3, v2  }
0x114: {  	v2 =	vperm.xlane v0, v2;
	v1 =	vshll.u32 v1, $0x2  }
0x115: {  	v1 =	vadd.s32 v4, v1  }
0x116: {  	[tilespmem:s13+$0xFFFFFF90] =	vst v2;
	v1 =	vperm.xlane v0, v1  }
0x117: {  	v2 =	vld [tilespmem:s25+$0xFFFFFFA0]  }
0x118: {  	v3 =	vld [tilespmem:s9+$0xFFFFFFA0];
	[tilespmem:s13+$0x20] =	vst v1  }
0x119: {  	v1 =	vld [tilespmem:s25+$0x30]  }
0x11a: {  	s5 =	simm.s32 $0x3600;
	v4 =	vld [tilespmem:s9+$0x30]  }
0x11b: {  	s7 =	simm.s32 $0x9E00;
	v5 =	vld [tilespmem:s5+$0x0]  }
0x11c: {  	v6 =	vld [tilespmem:s7+$0x0];
	v2 =	vshll.u32 v2, $0x2  }
0x11d: {  	v2 =	vadd.s32 v3, v2  }
0x11e: {  	v2 =	vperm.xlane v0, v2;
	v1 =	vshll.u32 v1, $0x2  }
0x11f: {  	v3 =	vld [tilespmem:s5+$0xFFFFFF80];
	v1 =	vadd.s32 v4, v1  }
0x120: {  	[tilespmem:s13+$0xFFFFFFA0] =	vst v2;
	v2 =	vld [tilespmem:s7+$0xFFFFFF80];
	v4 =	vshll.u32 v5, $0x2;
	v1 =	vperm.xlane v0, v1  }
0x121: {  	v5 =	vld [tilespmem:s25+$0xFFFFFFB0];
	v4 =	vadd.s32 v6, v4  }
0x122: {  	v6 =	vld [tilespmem:s9+$0xFFFFFFB0];
	v4 =	vperm.xlane v0, v4;
	[tilespmem:s13+$0x30] =	vst v1  }
0x123: {  	s17 =	simm.s32 $0x10600;
	v1 =	vld [tilespmem:s25+$0x40]  }
0x124: {  	v3 =	vshll.u32 v3, $0x2;
	[tilespmem:s17+$0x0] =	vst v4;
	v4 =	vld [tilespmem:s9+$0x40]  }
0x125: {  	v2 =	vadd.s32 v2, v3;
	v3 =	vld [tilespmem:s5+$0x10]  }
0x126: {  	v2 =	vperm.xlane v0, v2;
	v5 =	vshll.u32 v5, $0x2;
	v7 =	vld [tilespmem:s7+$0x10]  }
0x127: {  	v5 =	vadd.s32 v6, v5  }
0x128: {  	[tilespmem:s17+$0xFFFFFF80] =	vst v2;
	v2 =	vperm.xlane v0, v5;
	v1 =	vshll.u32 v1, $0x2  }
0x129: {  	v5 =	vld [tilespmem:s5+$0xFFFFFF90];
	v1 =	vadd.s32 v4, v1  }
0x12a: {  	[tilespmem:s13+$0xFFFFFFB0] =	vst v2;
	v4 =	vld [tilespmem:s7+$0xFFFFFF90];
	v2 =	vshll.u32 v3, $0x2;
	v1 =	vperm.xlane v0, v1  }
0x12b: {  	v3 =	vld [tilespmem:s25+$0xFFFFFFC0];
	v2 =	vadd.s32 v7, v2  }
0x12c: {  	v6 =	vld [tilespmem:s9+$0xFFFFFFC0];
	v2 =	vperm.xlane v0, v2;
	[tilespmem:s13+$0x40] =	vst v1  }
0x12d: {  	v1 =	vld [tilespmem:s25+$0x50]  }
0x12e: {  	v5 =	vshll.u32 v5, $0x2;
	[tilespmem:s17+$0x10] =	vst v2;
	v2 =	vld [tilespmem:s9+$0x50]  }
0x12f: {  	v4 =	vadd.s32 v4, v5;
	v5 =	vld [tilespmem:s5+$0x20]  }
0x130: {  	v3 =	vshll.u32 v3, $0x2;
	v7 =	vld [tilespmem:s7+$0x20]  }
0x131: {  	v4 =	vperm.xlane v0, v4;
	v3 =	vadd.s32 v6, v3  }
0x132: {  	s31 =	simm.s32 $0x9F00;
	v3 =	vperm.xlane v0, v3;
	v1 =	vshll.u32 v1, $0x2  }
0x133: {  	v60 =	vld [tilespmem:s31+$0x0];
	[tilespmem:s17+$0xFFFFFF90] =	vst v4;
	v1 =	vadd.s32 v2, v1  }
0x134: {  	v4 =	vld [tilespmem:s5+$0xFFFFFFA0];
	[tilespmem:s13+$0xFFFFFFC0] =	vst v3;
	v3 =	vshll.u32 v5, $0x2;
	v1 =	vperm.xlane v0, v1  }
0x135: {  	v2 =	vld [tilespmem:s7+$0xFFFFFFA0];
	v3 =	vadd.s32 v7, v3  }
0x136: {  	v5 =	vld [tilespmem:s25+$0xFFFFFFD0];
	v3 =	vperm.xlane v0, v3;
	[tilespmem:s13+$0x50] =	vst v1  }
0x137: {  	v1 =	vld [tilespmem:s25+$0x60]  }
0x138: {  	[tilespmem:s17+$0x20] =	vst v3;
	v3 =	vld [tilespmem:s9+$0x60]  }
0x139: {  	v7 =	vld [tilespmem:s5+$0x30]  }
0x13a: {  	s10 =	simm.s32 $0x3700;
	v4 =	vshll.u32 v4, $0x2;
	v8 =	vld [tilespmem:s7+$0x30]  }
0x13b: {  	v2 =	vadd.s32 v2, v4;
	v4 =	vld [tilespmem:s10+$0x0]  }
0x13c: {  	v6 =	vld [tilespmem:s9+$0xFFFFFFD0];
	v2 =	vperm.xlane v0, v2;
	v1 =	vshll.u32 v1, $0x2  }
0x13d: {  	v1 =	vadd.s32 v3, v1;
	v3 =	vld [tilespmem:s10+$0xFFFFFF80]  }
0x13e: {  	[tilespmem:s17+$0xFFFFFFA0] =	vst v2;
	v2 =	vld [tilespmem:s31+$0xFFFFFF80];
	v7 =	vshll.u32 v7, $0x2;
	v1 =	vperm.xlane v0, v1  }
0x13f: {  	v7 =	vadd.s32 v8, v7;
	v8 =	vld [tilespmem:s5+$0xFFFFFFB0]  }
0x140: {  	v4 =	vshll.u32 v4, $0x2;
	v7 =	vperm.xlane v0, v7;
	[tilespmem:s13+$0x60] =	vst v1;
	v1 =	vld [tilespmem:s7+$0xFFFFFFB0]  }
0x141: {  	v4 =	vadd.s32 v60, v4;
	v61 =	vld [tilespmem:s25+$0x70]  }
0x142: {  	v4 =	vperm.xlane v0, v4;
	[tilespmem:s17+$0x30] =	vst v7;
	v7 =	vld [tilespmem:s9+$0x70];
	v3 =	vshll.u32 v3, $0x2  }
0x143: {  	s11 =	simm.s32 $0x10700;
	v2 =	vadd.s32 v2, v3;
	v3 =	vld [tilespmem:s5+$0x40]  }
0x144: {  	[tilespmem:s11+$0x0] =	vst v4;
	v4 =	vshll.u32 v8, $0x2;
	v8 =	vld [tilespmem:s7+$0x40];
	v2 =	vperm.xlane v0, v2  }
0x145: {  	v1 =	vadd.s32 v1, v4;
	v4 =	vld [tilespmem:s10+$0x10]  }
0x146: {  	v5 =	vshll.u32 v5, $0x2;
	[tilespmem:s11+$0xFFFFFF80] =	vst v2;
	v2 =	vld [tilespmem:s31+$0x10];
	v1 =	vperm.xlane v0, v1  }
0x147: {  	v5 =	vadd.s32 v6, v5;
	v6 =	vld [tilespmem:s10+$0xFFFFFF90]  }
0x148: {  	v5 =	vperm.xlane v0, v5;
	[tilespmem:s17+$0xFFFFFFB0] =	vst v1;
	v1 =	vld [tilespmem:s31+$0xFFFFFF90];
	v3 =	vshll.u32 v3, $0x2  }
0x149: {  	v3 =	vadd.s32 v8, v3;
	v8 =	vld [tilespmem:s5+$0xFFFFFFC0]  }
0x14a: {  	[tilespmem:s13+$0xFFFFFFD0] =	vst v5;
	v5 =	vld [tilespmem:s7+$0xFFFFFFC0];
	v4 =	vshll.u32 v4, $0x2;
	v3 =	vperm.xlane v0, v3  }
0x14b: {  	v2 =	vadd.s32 v2, v4;
	v4 =	vld [tilespmem:s25+$0xFFFFFFE0]  }
0x14c: {  	v6 =	vshll.u32 v6, $0x2;
	v2 =	vperm.xlane v0, v2;
	[tilespmem:s17+$0x40] =	vst v3;
	v3 =	vld [tilespmem:s9+$0xFFFFFFE0]  }
0x14d: {  	v1 =	vadd.s32 v1, v6;
	v6 =	vld [tilespmem:s5+$0x50]  }
0x14e: {  	v1 =	vperm.xlane v0, v1;
	[tilespmem:s11+$0x10] =	vst v2;
	v2 =	vshll.u32 v8, $0x2;
	v8 =	vld [tilespmem:s7+$0x50]  }
0x14f: {  	v2 =	vadd.s32 v5, v2;
	v5 =	vld [tilespmem:s10+$0x20]  }
0x150: {  	[tilespmem:s11+$0xFFFFFF90] =	vst v1;
	v1 =	vld [tilespmem:s31+$0x20];
	v2 =	vperm.xlane v0, v2;
	v4 =	vshll.u32 v4, $0x2  }
0x151: {  	v3 =	vadd.s32 v3, v4;
	v4 =	vld [tilespmem:s10+$0xFFFFFFA0]  }
0x152: {  	[tilespmem:s17+$0xFFFFFFC0] =	vst v2;
	v2 =	vld [tilespmem:s31+$0xFFFFFFA0];
	v6 =	vshll.u32 v6, $0x2;
	v3 =	vperm.xlane v0, v3  }
0x153: {  	v6 =	vadd.s32 v8, v6;
	v8 =	vld [tilespmem:s5+$0xFFFFFFD0]  }
0x154: {  	v62 =	vld [tilespmem:s7+$0xFFFFFFD0];
	v5 =	vshll.u32 v5, $0x2;
	[tilespmem:s13+$0xFFFFFFE0] =	vst v3;
	v3 =	vperm.xlane v0, v6  }
0x155: {  	v6 =	vshll.u32 v61, $0x2;
	v1 =	vadd.s32 v1, v5;
	v63 =	vld [tilespmem:s25+$0xFFFFFFF0]  }
0x156: {  	v5 =	vadd.s32 v7, v6;
	v4 =	vshll.u32 v4, $0x2;
	v6 =	vperm.xlane v0, v1;
	[tilespmem:s17+$0x50] =	vst v3;
	v1 =	vld [tilespmem:s9+$0xFFFFFFF0]  }
0x157: {  	v5 =	vperm.xlane v0, v5;
	v3 =	vadd.s32 v2, v4;
	v2 =	vld [tilespmem:s5+$0x60]  }
0x158: {  	v4 =	vperm.xlane v0, v3;
	[tilespmem:s11+$0x20] =	vst v6;
	v7 =	vshll.u32 v8, $0x2;
	v3 =	vld [tilespmem:s7+$0x60]  }
0x159: {  	s12 =	sor.u32 s8, s12;
	[tilespmem:s13+$0x70] =	vst v5;
	v6 =	vld [tilespmem:s10+$0x30];
	v5 =	vadd.s32 v62, v7  }
0x15a: {  	s6 =	simm.s32 $0x4;
	s25 =	simm.s32 $0x9F00;
	s9 =	simm.s32 $0x3800;
	v7 =	vld [tilespmem:s31+$0x30];
	[tilespmem:s11+$0xFFFFFFA0] =	vst v4;
	v5 =	vperm.xlane v0, v5;
	v4 =	vshll.u32 v63, $0x2  }
.LBB2_5:
0x15b: {  	v8 =	vld [tilespmem:s9+$0x0];
	s6 =	sadd.s32 $0x2, s6;
	s31 =	sadd.s32 $0x100, s31;
	v1 =	vadd.s32 v1, v4  }
0x15c: {  	v4 =	vld [tilespmem:s31+$0x0];
	p1 =	slt.u32 s6, $0x62;
	[tilespmem:s17+$0xFFFFFFD0] =	vst v5;
	v2 =	vshll.u32 v2, $0x2;
	v1 =	vperm.xlane v0, v1  }
0x15d: {  	v5 =	vld [tilespmem:s9+$0xFFFFFF80];
	v2 =	vadd.s32 v3, v2  }
0x15e: {  	v3 =	vld [tilespmem:s31+$0xFFFFFF80];
	v6 =	vshll.u32 v6, $0x2;
	v2 =	vperm.xlane v0, v2;
	[tilespmem:s13+$0xFFFFFFF0] =	vst v1;
	s13 =	smov.u32 s17;
	s17 =	smov.u32 s11  }
0x15f: {  	v1 =	vld [tilespmem:s10+$0xFFFFFFB0];
	v6 =	vadd.s32 v7, v6  }
0x160: {  	v7 =	vshll.u32 v8, $0x2;
	v8 =	vld [tilespmem:s25+$0xFFFFFFB0];
	v6 =	vperm.xlane v0, v6;
	[tilespmem:s13+$0x60] =	vst v2  }
0x161: {  	v2 =	vadd.s32 v4, v7;
	v4 =	vld [tilespmem:s5+$0x70]  }
0x162: {  	v5 =	vshll.u32 v5, $0x2;
	v2 =	vperm.xlane v0, v2;
	[tilespmem:s11+$0x30] =	vst v6;
	v6 =	vld [tilespmem:s7+$0x70]  }
0x163: {  	s11 =	sadd.s32 $0x100, s11;
	v3 =	vadd.s32 v3, v5;
	v5 =	vld [tilespmem:s10+$0x40]  }
0x164: {  	v3 =	vperm.xlane v0, v3;
	[tilespmem:s11+$0x0] =	vst v2;
	v1 =	vshll.u32 v1, $0x2;
	v2 =	vld [tilespmem:s25+$0x40]  }
0x165: {  	v7 =	vld [tilespmem:s9+$0x10];
	v1 =	vadd.s32 v8, v1  }
0x166: {  	[tilespmem:s11+$0xFFFFFF80] =	vst v3;
	v3 =	vld [tilespmem:s31+$0x10];
	v1 =	vperm.xlane v0, v1;
	v4 =	vshll.u32 v4, $0x2  }
0x167: {  	v8 =	vld [tilespmem:s9+$0xFFFFFF90];
	v4 =	vadd.s32 v6, v4  }
0x168: {  	v6 =	vld [tilespmem:s31+$0xFFFFFF90];
	[tilespmem:s17+$0xFFFFFFB0] =	vst v1;
	v1 =	vshll.u32 v5, $0x2;
	v4 =	vperm.xlane v0, v4  }
0x169: {  	v5 =	vld [tilespmem:s10+$0xFFFFFFC0];
	v1 =	vadd.s32 v2, v1  }
0x16a: {  	v2 =	vshll.u32 v7, $0x2;
	v7 =	vld [tilespmem:s25+$0xFFFFFFC0];
	v1 =	vperm.xlane v0, v1;
	[tilespmem:s13+$0x70] =	vst v4  }
0x16b: {  	v2 =	vadd.s32 v3, v2;
	v3 =	vld [tilespmem:s5+$0xFFFFFFE0]  }
0x16c: {  	v4 =	vshll.u32 v8, $0x2;
	v2 =	vperm.xlane v0, v2;
	[tilespmem:s17+$0x40] =	vst v1;
	v1 =	vld [tilespmem:s7+$0xFFFFFFE0]  }
0x16d: {  	v4 =	vadd.s32 v6, v4;
	v6 =	vld [tilespmem:s10+$0x50]  }
0x16e: {  	v4 =	vperm.xlane v0, v4;
	[tilespmem:s11+$0x10] =	vst v2;
	v2 =	vshll.u32 v5, $0x2;
	v5 =	vld [tilespmem:s25+$0x50]  }
0x16f: {  	v8 =	vld [tilespmem:s9+$0x20];
	v2 =	vadd.s32 v7, v2  }
0x170: {  	[tilespmem:s11+$0xFFFFFF90] =	vst v4;
	v4 =	vld [tilespmem:s31+$0x20];
	v2 =	vperm.xlane v0, v2;
	v3 =	vshll.u32 v3, $0x2  }
0x171: {  	v7 =	vld [tilespmem:s9+$0xFFFFFFA0];
	v1 =	vadd.s32 v1, v3  }
0x172: {  	v3 =	vld [tilespmem:s31+$0xFFFFFFA0];
	[tilespmem:s17+$0xFFFFFFC0] =	vst v2;
	v2 =	vshll.u32 v6, $0x2;
	v1 =	vperm.xlane v0, v1  }
0x173: {  	v6 =	vld [tilespmem:s10+$0xFFFFFFD0];
	v2 =	vadd.s32 v5, v2  }
0x174: {  	v5 =	vshll.u32 v8, $0x2;
	v8 =	vld [tilespmem:s25+$0xFFFFFFD0];
	v2 =	vperm.xlane v0, v2;
	[tilespmem:s13+$0xFFFFFFE0] =	vst v1  }
0x175: {  	v1 =	vadd.s32 v4, v5;
	v4 =	vld [tilespmem:s5+$0xFFFFFFF0];
	s5 =	smov.u32 s10;
	s10 =	smov.u32 s9  }
.Ltmp3:
0x176: {  	v5 =	vshll.u32 v7, $0x2;
	v7 =	vperm.xlane v0, v1;
	[tilespmem:s17+$0x50] =	vst v2;
	v1 =	vld [tilespmem:s7+$0xFFFFFFF0];
	s7 =	smov.u32 s25;
	s25 =	smov.u32 s31;
	(pc) =	sbr.rel @p1 .LBB2_5-.Ltmp3, $4  }
0x177: {  	v3 =	vadd.s32 v3, v5;
	v2 =	vld [tilespmem:s5+$0x60]  }
0x178: {  	v5 =	vperm.xlane v0, v3;
	[tilespmem:s11+$0x20] =	vst v7;
	v7 =	vshll.u32 v6, $0x2;
	v3 =	vld [tilespmem:s7+$0x60]  }
0x179: {  	v6 =	vld [tilespmem:s9+$0x30];
	v8 =	vadd.s32 v8, v7  }
0x17a: {  	s9 =	sadd.s32 $0x100, s9;
	[tilespmem:s11+$0xFFFFFFA0] =	vst v5;
	v7 =	vld [tilespmem:s31+$0x30];
	v5 =	vperm.xlane v0, v8;
	v4 =	vshll.u32 v4, $0x2  }
0x17b: {  	v8 =	vld [tilespmem:s10+$0xFFFFFFB0]  }
0x17c: {  	v9 =	vld [tilespmem:s25+$0xFFFFFFB0];
	_ =	sdelay $0x1  }
0x17d: {  	v6 =	vshll.u32 v6, $0x2  }
0x17e: {  	v6 =	vadd.s32 v7, v6  }
0x17f: {  	v6 =	vperm.xlane v0, v6;
	v42 =	vshll.u32 v8, $0x2  }
0x180: {  	v7 =	vadd.s32 v9, v42  }
0x181: {  	[tilespmem:s11+$0x30] =	vst v6;
	v43 =	vperm.xlane v0, v7  }
0x182: {  	v44 =	vld [tilespmem:s10+$0x40]  }
0x183: {  	v45 =	vld [tilespmem:s25+$0x40];
	[tilespmem:s11+$0xFFFFFFB0] =	vst v43  }
0x184: {  	v6 =	vld [tilespmem:s10+$0xFFFFFFC0]  }
0x185: {  	v46 =	vld [tilespmem:s25+$0xFFFFFFC0];
	_ =	sdelay $0x1  }
0x186: {  	v7 =	vshll.u32 v44, $0x2  }
0x187: {  	v7 =	vadd.s32 v45, v7  }
0x188: {  	v7 =	vperm.xlane v0, v7;
	v6 =	vshll.u32 v6, $0x2  }
0x189: {  	v6 =	vadd.s32 v46, v6  }
0x18a: {  	[tilespmem:s11+$0x40] =	vst v7;
	v6 =	vperm.xlane v0, v6  }
0x18b: {  	v7 =	vld [tilespmem:s10+$0x50]  }
0x18c: {  	v47 =	vld [tilespmem:s25+$0x50];
	[tilespmem:s11+$0xFFFFFFC0] =	vst v6  }
0x18d: {  	v6 =	vld [tilespmem:s10+$0xFFFFFFD0]  }
0x18e: {  	v48 =	vld [tilespmem:s25+$0xFFFFFFD0];
	_ =	sdelay $0x1  }
0x18f: {  	v7 =	vshll.u32 v7, $0x2  }
0x190: {  	v7 =	vadd.s32 v47, v7  }
0x191: {  	[tilespmem:s17+$0xFFFFFFD0] =	vst v5;
	v49 =	vperm.xlane v0, v7;
	v6 =	vshll.u32 v6, $0x2  }
0x192: {  	v50 =	vld [tilespmem:s5+$0xFFFFFFE0];
	v6 =	vadd.s32 v48, v6  }
0x193: {  	v51 =	vld [tilespmem:s7+$0xFFFFFFE0];
	[tilespmem:s11+$0x50] =	vst v49;
	v52 =	vperm.xlane v0, v6  }
0x194: {  	v53 =	vld [tilespmem:s10+$0x60]  }
0x195: {  	v2 =	vshll.u32 v2, $0x2;
	v54 =	vld [tilespmem:s25+$0x60];
	[tilespmem:s11+$0xFFFFFFD0] =	vst v52  }
0x196: {  	v2 =	vadd.s32 v3, v2;
	v3 =	vld [tilespmem:s10+$0xFFFFFFE0]  }
0x197: {  	v2 =	vperm.xlane v0, v2;
	v55 =	vshll.u32 v50, $0x2;
	v56 =	vld [tilespmem:s25+$0xFFFFFFE0]  }
0x198: {  	v5 =	vadd.s32 v51, v55  }
0x199: {  	[tilespmem:s17+$0x60] =	vst v2;
	v2 =	vperm.xlane v0, v5;
	v57 =	vshll.u32 v53, $0x2  }
0x19a: {  	v58 =	vld [tilespmem:s5+$0x70];
	v5 =	vadd.s32 v54, v57  }
0x19b: {  	v59 =	vld [tilespmem:s7+$0x70];
	[tilespmem:s17+$0xFFFFFFE0] =	vst v2;
	v2 =	vperm.xlane v0, v5;
	v3 =	vshll.u32 v3, $0x2  }
0x19c: {  	v60 =	vld [tilespmem:s5+$0xFFFFFFF0];
	v3 =	vadd.s32 v56, v3  }
0x19d: {  	v61 =	vld [tilespmem:s7+$0xFFFFFFF0];
	[tilespmem:s11+$0x60] =	vst v2;
	v2 =	vperm.xlane v0, v3  }
0x19e: {  	v3 =	vld [tilespmem:s10+$0x70]  }
0x19f: {  	v62 =	vld [tilespmem:s25+$0x70];
	[tilespmem:s11+$0xFFFFFFE0] =	vst v2  }
0x1a0: {  	v2 =	vld [tilespmem:s10+$0xFFFFFFF0]  }
0x1a1: {  	v10 =	vld [tilespmem:s25+$0xFFFFFFF0]  }
0x1a2: {  	v1 =	vadd.s32 v1, v4;
	v63 =	vshll.u32 v58, $0x2  }
0x1a3: {  	v1 =	vperm.xlane v0, v1;
	v4 =	vadd.s32 v59, v63;
	v5 =	vshll.u32 v60, $0x2  }
0x1a4: {  	v4 =	vperm.xlane v0, v4;
	v5 =	vadd.s32 v61, v5;
	v3 =	vshll.u32 v3, $0x2  }
0x1a5: {  	[tilespmem:s13+$0xFFFFFFF0] =	vst v1;
	v1 =	vperm.xlane v0, v5;
	v3 =	vadd.s32 v62, v3;
	v2 =	vshll.u32 v2, $0x2  }
0x1a6: {  	[tilespmem:s17+$0x70] =	vst v4;
	v3 =	vperm.xlane v0, v3;
	v2 =	vadd.s32 v10, v2  }
0x1a7: {  	[tilespmem:s17+$0xFFFFFFF0] =	vst v1;
	v1 =	vperm.xlane v0, v2  }
.Ltmp4:
0x1a8: {  	[tilespmem:s11+$0x70] =	vst v3;
	(pc) =	sbr.rel @!p0 .LBB2_8-.Ltmp4, $4  }
0x1a9: {  	s31 =	sadd.s32 s3, s12;
	[tilespmem:s11+$0xFFFFFFF0] =	vst v1  }
0x1aa: {  	[hbm4b:s31+s20] =	stream.strided.scatter [tilespmem:s23], [sflag:$0x4], $0x3000, s21, s20, $0x38;
	[tilespmem:$0x13880] =	vst v63  }
0x1ab: {  	s5 =	sadd.s32 $0x30000, s31  }
0x1ac: {  	[hbm4b:s5+s4] =	stream.linear.scatter [tilespmem:s24], [sflag:$0x4], $0x200, $0x38;
	[tilespmem:$0x13880] =	vst v63  }
0x1ad: {  	[tilespmem:s26], [sflag:$0x2] =	stream.strided.gather [hbm4b:s18+s20], $0x3000, s21, s20, $0x38;
	[tilespmem:$0x13880] =	vst v63  }
0x1ae: {  	s5 =	sadd.s32 $0x30000, s18  }
0x1af: {  	[tilespmem:s28], [sflag:$0x2] =	stream.linear.gather [hbm4b:s5+s4], $0x200, $0x38;
	[tilespmem:$0x13880] =	vst v63  }
.Ltmp5:
0x1b0: {  	_ = 	snop;
	(pc) =	sbr.rel .LBB2_2-.Ltmp5, $4  }
0x1b1: {  	_ = 	snop  }
0x1b2: {  	[tilespmem:s29], [sflag:$0x2] =	stream.strided.gather [hbm4b:s19+s20], $0x3000, s21, s20, $0x38;
	[tilespmem:$0x13880] =	vst v63  }
0x1b3: {  	s31 =	sadd.s32 $0x30000, s19;
	s12 =	simm.s32 $0x100;
	p0 =	por $0x0, $0x0  }
0x1b4: {  	[tilespmem:s30], [sflag:$0x2] =	stream.linear.gather [hbm4b:s31+s4], $0x200, $0x38;
	[tilespmem:$0x13880] =	vst v63  }
.LBB2_9:
0x1b5: {  	_ =	sfence.sel $0x180000  }
0x1b6: {  	[bflag:$0x0] =	sbarrier.arrive $0xFFFF  }
0x1b7: {  	_ =	strace $0x90000047  }
0x1b8: {  	s0 =	stileid.u32;
	[bflag:$0x2] =	sbarrier.arrive $0xFFFF  }
0x1b9: {  	p0 =	sne.s32 s0, $0x0;
	s0 =	rddreg [dreg:$0x4]  }
0x1ba: {  	s0 =	sadd.s32 @!p0 $0x100000, s0  }
0x1bb: {  	[sflag:s0] =	ssyncadd.tile.s32 @!p0 $0x1;
	_ =	shalt  }
.Lfunc_end2:
_tile_overlayer_lowered:
.L_overlay_start_2:
0x1bc: {  	(tag) =	ssettag $0x2  }
0x1bd: {  	s0 =	rddreg [dreg:$0x0];
	s2 =	stileid.u32  }
0x1be: {  	s1 =	rddreg [dreg:$0x1];
	p0 =	sne.s32 s2, $0x0  }
0x1bf: {  	s3 =	rddreg [dreg:$0x2];
	[bflag:$0x3] =	sbarrier.arrive $0xFFFF;
	s2 =	simm.s32 @!p0 $0x1C05  }
0x1c0: {  	[timem:s3], [sflag:s2] =	dma.local @!p0 [hbm:s0], s1  }
0x1c1: {  	s0 =	simm.s32 @!p0 $0x5  }
0x1c2: {  	_ =	swait.ge @!p0 [sflag:s0], s1  }
0x1c3: {  	s1 =	ssub.s32 @!p0 $0x0, s1;
	[sflag:s0] =	ssyncset.done @!p0 $0x0  }
0x1c4: {  	[sflag:s0] =	ssyncadd.s32 @!p0 s1  }
0x1c5: {  	[bflag:$0x3] =	sbarrier.arrive $0xFFFF  }
0x1c6: {  	_ =	shalt  }

</sc_bundles>
